<compile_context>
chip_gen: v7x
topology: tpu7x:2x2x1
jax: 0.10.2.dev20260603
libtpu: 0.0.44.dev20260713+nightly
codegen_flags: <defaults>
</compile_context>

<pallas_src>
import functools

import jax
import jax.numpy as jnp
from jax import lax
from jax.experimental import pallas as pl
from jax.experimental.pallas import tpu as pltpu
from jax.experimental.pallas import tpu_sc as plsc

B = 16384
K = 64
V = 1_000_000
NC = 2
NS = 16
NW = NC * NS
BPW = B // NW
GP = 4
NG = BPW // GP
LB = 128


def _cf_body(uidx, iidx, ut, it, out, idx_u, idx_i, ublk, iblk, stage,
             out_v, sem0, sem1, sem2, sem3):
    wid = lax.axis_index("s") * NC + lax.axis_index("c")
    base = wid * BPW

    pltpu.sync_copy(uidx.at[pl.ds(base, BPW)], idx_u)
    pltpu.sync_copy(iidx.at[pl.ds(base, BPW)], idx_i)

    sems = (sem0, sem1, sem2, sem3)
    lane = lax.iota(jnp.int32, 16)
    zero16 = jnp.zeros((16,), jnp.int32)

    def bcast(ref, pos):
        return plsc.load_gather(ref, [zero16 + pos])

    def scal(vec):
        return jnp.sum(vec) >> 4

    def post(g, b):
        cu = scal(bcast(idx_u, g))
        ci = scal(bcast(idx_i, g))
        qu = pl.multiple_of((cu >> 7) * LB, LB)
        qi = pl.multiple_of((ci >> 7) * LB, LB)
        pltpu.async_copy(ut.at[:, pl.ds(qu, LB)], ublk.at[b], sems[b])
        pltpu.async_copy(it.at[:, pl.ds(qi, LB)], iblk.at[b], sems[b])

    def drain(b):
        pltpu.make_async_copy(ut.at[:, pl.ds(0, LB)], ublk.at[b],
                              sems[b]).wait()
        pltpu.make_async_copy(it.at[:, pl.ds(0, LB)], iblk.at[b],
                              sems[b]).wait()

    def compute(g, b):
        rvu = bcast(idx_u, g) & (LB - 1)
        rvi = bcast(idx_i, g) & (LB - 1)
        bvec = zero16 + b
        acc = jnp.zeros((16,), jnp.float32)
        for t in range(K // 16):
            kvec = lane + (t * 16)
            uv = plsc.load_gather(ublk, [bvec, kvec, rvu])
            iv = plsc.load_gather(iblk, [bvec, kvec, rvi])
            acc = acc + uv * iv
        for sh in (1, 2, 4, 8):
            stage[...] = acc
            acc = acc + plsc.load_gather(stage, [lane ^ sh])
        plsc.store_scatter(out_v, [zero16 + g], acc, mask=lane == 0)

    def loop_body(h, carry):
        for j in range(GP):
            post(h * GP + j, j)
        for j in range(GP):
            drain(j)
        for j in range(GP):
            compute(h * GP + j, j)
        return carry

    lax.fori_loop(0, BPW // GP, loop_body, 0)

    pltpu.sync_copy(out_v, out.at[pl.ds(base, BPW)])


@jax.jit
def _cf_forward(uidx, iidx, ut, it):
    kfn = pl.kernel(
        _cf_body,
        out_type=jax.ShapeDtypeStruct((B,), jnp.float32),
        mesh=plsc.VectorSubcoreMesh(core_axis_name="c", subcore_axis_name="s"),
        compiler_params=pltpu.CompilerParams(
            needs_layout_passes=False, use_tc_tiling_on_sc=True),
        scratch_types=[
            pltpu.VMEM((BPW,), jnp.int32),
            pltpu.VMEM((BPW,), jnp.int32),
            pltpu.VMEM((4, K, LB), jnp.float32),
            pltpu.VMEM((4, K, LB), jnp.float32),
            pltpu.VMEM((16,), jnp.float32),
            pltpu.VMEM((BPW,), jnp.float32),
            pltpu.SemaphoreType.DMA,
            pltpu.SemaphoreType.DMA,
            pltpu.SemaphoreType.DMA,
            pltpu.SemaphoreType.DMA,
        ],
    )
    return kfn(uidx, iidx, ut, it)


def kernel(user_input, item_input, user_table, item_table):
    uidx = user_input.reshape(B)
    iidx = item_input.reshape(B)
    out = _cf_forward(uidx, iidx, user_table.T, item_table.T)
    return out.reshape(B, 1)

# --- scband reference (transcript-rebuilt; emitter-appended) ---
"""Pipeline reference for scband-cfmodel-24240795419493 (READ-ONLY COPY).

The authoritative reference and input builder live on the scoring server;
editing this copy changes nothing except your own understanding.
"""

import jax, jax.numpy as jnp
import numpy as np

N_USERS = 1000000
M_ITEMS = 1000000
K_FACTORS = 64
BATCH = 16384


def setup_inputs(seed: int = 0) -> dict:
    key = jax.random.key(seed)
    k1, k2, k3, k4 = jax.random.split(key, 4)
    user_input = jax.random.randint(k1, (BATCH, 1), 0, N_USERS, dtype=jnp.int64 if jax.config.jax_enable_x64 else jnp.int32).astype(jnp.int32)
    item_input = jax.random.randint(k2, (BATCH, 1), 0, M_ITEMS, dtype=jnp.int64 if jax.config.jax_enable_x64 else jnp.int32).astype(jnp.int32)
    user_table = (jax.random.normal(k3, (N_USERS, K_FACTORS), dtype=jnp.float32) * 0.05)
    item_table = (jax.random.normal(k4, (M_ITEMS, K_FACTORS), dtype=jnp.float32) * 0.05)
    return {
        "user_input": user_input,
        "item_input": item_input,
        "user_table": user_table,
        "item_table": item_table,
    }


def reference(user_input, item_input, user_table, item_table):
    # Embedding lookup: [B, 1] indices -> [B, 1, K] -> reshape to [B, K]
    user_emb = jnp.take(user_table, user_input[:, 0], axis=0)  # [B, K]
    item_emb = jnp.take(item_table, item_input[:, 0], axis=0)  # [B, K]
    # Dot(axes=1): elementwise product summed over factor dim -> [B, 1]
    dot_product = jnp.sum(user_emb * item_emb, axis=1, keepdims=True)
    return dot_product

if __name__ == "__main__":
    import jax
    _d = setup_inputs()
    print(jax.jit(kernel)(*tuple(_d.values())))

</pallas_src>

<mosaic_0001>
#map = affine_map<(d0, d1) -> (0)>
#map1 = affine_map<(d0, d1) -> (0, 0)>
module attributes {stable_mosaic.version = 14 : i64} {
  func.func @_cf_body(%arg0: i32, %arg1: i32, %arg2: memref<16384xi32, #tpu.memory_space<hbm>>, %arg3: memref<16384xi32, #tpu.memory_space<hbm>>, %arg4: memref<64x1000000xf32, #tpu.memory_space<hbm>>, %arg5: memref<64x1000000xf32, #tpu.memory_space<hbm>>, %arg6: memref<16384xf32, #tpu.memory_space<hbm>>, %arg7: memref<512xi32, #tpu.memory_space<vmem>>, %arg8: memref<512xi32, #tpu.memory_space<vmem>>, %arg9: memref<4x64x128xf32, #tpu.memory_space<vmem>>, %arg10: memref<4x64x128xf32, #tpu.memory_space<vmem>>, %arg11: memref<16xf32, #tpu.memory_space<vmem>>, %arg12: memref<512xf32, #tpu.memory_space<vmem>>, %arg13: memref<!tpu.dma_semaphore, #tpu.memory_space<semaphore_mem>>, %arg14: memref<!tpu.dma_semaphore, #tpu.memory_space<semaphore_mem>>, %arg15: memref<!tpu.dma_semaphore, #tpu.memory_space<semaphore_mem>>, %arg16: memref<!tpu.dma_semaphore, #tpu.memory_space<semaphore_mem>>) attributes {dimension_semantics = [#tpu.dimension_semantics<core_parallel>, #tpu.dimension_semantics<subcore_parallel>], iteration_bounds = array<i64: 2, 16>, scalar_prefetch = 0 : i64, scratch_operands = 10 : i64, tpu.core_type = #tpu.core_type<sc_vector_subcore>, window_params = [{transform_indices = #map}, {transform_indices = #map}, {transform_indices = #map1}, {transform_indices = #map1}, {transform_indices = #map}]} {
    %mul3A = arith.constant 2 : i32
    %mul3A_0 = arith.muli %arg1, %mul3A : i32
    %add3A = arith.addi %mul3A_0, %arg0 : i32
    %mul3A_1 = arith.constant 512 : i32
    %mul3A_2 = arith.muli %add3A, %mul3A_1 : i32
    "tpu.region"() ({
      %run_scoped3A = tpu.sem_alloc : memref<!tpu.dma_semaphore, #tpu.memory_space<semaphore_mem>>
      %dma_start3A = tpu.memref_slice %arg2[%mul3A_2] : memref<16384xi32, #tpu.memory_space<hbm>> -> memref<512xi32, #tpu.memory_space<hbm>>
      %dma_start3A_9 = tpu.memref_slice %arg2[%mul3A_2] : memref<16384xi32, #tpu.memory_space<hbm>> -> memref<512xi32, #tpu.memory_space<hbm>>
      tpu.enqueue_dma source(%dma_start3A_9 : memref<512xi32, #tpu.memory_space<hbm>>) target(%arg7 : memref<512xi32, #tpu.memory_space<vmem>>) target_semaphore(%run_scoped3A : memref<!tpu.dma_semaphore, #tpu.memory_space<semaphore_mem>>)
      %dma_wait3A = tpu.memref_slice %arg2[%mul3A_2] : memref<16384xi32, #tpu.memory_space<hbm>> -> memref<512xi32, #tpu.memory_space<hbm>>
      %dma_wait3A_10 = tpu.memref_slice %arg2[%mul3A_2] : memref<16384xi32, #tpu.memory_space<hbm>> -> memref<512xi32, #tpu.memory_space<hbm>>
      tpu.wait_dma2 semaphore(%run_scoped3A : memref<!tpu.dma_semaphore, #tpu.memory_space<semaphore_mem>>) src(%dma_wait3A_10 : memref<512xi32, #tpu.memory_space<hbm>>) dst(%arg7 : memref<512xi32, #tpu.memory_space<vmem>>)
      tpu.yield
    }) : () -> ()
    "tpu.region"() ({
      %run_scoped3A = tpu.sem_alloc : memref<!tpu.dma_semaphore, #tpu.memory_space<semaphore_mem>>
      %dma_start3A = tpu.memref_slice %arg3[%mul3A_2] : memref<16384xi32, #tpu.memory_space<hbm>> -> memref<512xi32, #tpu.memory_space<hbm>>
      %dma_start3A_9 = tpu.memref_slice %arg3[%mul3A_2] : memref<16384xi32, #tpu.memory_space<hbm>> -> memref<512xi32, #tpu.memory_space<hbm>>
      tpu.enqueue_dma source(%dma_start3A_9 : memref<512xi32, #tpu.memory_space<hbm>>) target(%arg8 : memref<512xi32, #tpu.memory_space<vmem>>) target_semaphore(%run_scoped3A : memref<!tpu.dma_semaphore, #tpu.memory_space<semaphore_mem>>)
      %dma_wait3A = tpu.memref_slice %arg3[%mul3A_2] : memref<16384xi32, #tpu.memory_space<hbm>> -> memref<512xi32, #tpu.memory_space<hbm>>
      %dma_wait3A_10 = tpu.memref_slice %arg3[%mul3A_2] : memref<16384xi32, #tpu.memory_space<hbm>> -> memref<512xi32, #tpu.memory_space<hbm>>
      tpu.wait_dma2 semaphore(%run_scoped3A : memref<!tpu.dma_semaphore, #tpu.memory_space<semaphore_mem>>) src(%dma_wait3A_10 : memref<512xi32, #tpu.memory_space<hbm>>) dst(%arg8 : memref<512xi32, #tpu.memory_space<vmem>>)
      tpu.yield
    }) : () -> ()
    %iota3A = tpu.iota {dimensions = array<i32: 0>} : vector<16xi32>
    %broadcast_in_dim3A = arith.constant 0 : i32
    %broadcast_in_dim3A_3 = vector.broadcast %broadcast_in_dim3A : i32 to vector<16xi32>
    %scan3A = arith.constant 0 : i32
    %scan3A_4 = arith.constant 0 : i32
    %scan3A_5 = arith.constant 128 : i32
    %scan3A_6 = arith.addi %scan3A_4, %scan3A_5 : i32
    %scan3A_7 = arith.constant 1 : i32
    scf.for %scan3A_9 = %scan3A_4 to %scan3A_6 step %scan3A_7  : i32 {
      %mul3A_10 = arith.constant 4 : i32
      %mul3A_11 = arith.muli %scan3A_9, %mul3A_10 : i32
      %add3A_12 = arith.constant 0 : i32
      %add3A_13 = arith.addi %mul3A_11, %add3A_12 : i32
      %add3A_14 = vector.broadcast %add3A_13 : i32 to vector<16xi32>
      %add3A_15 = arith.addi %broadcast_in_dim3A_3, %add3A_14 : vector<16xi32>
      %gather3A = tpu.vector_load_idx %arg7[%add3A_15] : memref<512xi32, #tpu.memory_space<vmem>>[vector<16xi32>], vector<16xi32>,
      %reduce_sum3A = arith.constant true
      %reduce_sum3A_16 = vector.broadcast %reduce_sum3A : i1 to vector<16xi1>
      %reduce_sum3A_17 = tpu.scan <sum>, %gather3A masked %reduce_sum3A_16 : vector<16xi32>, vector<16xi1> -> vector<16xi32>
      %reduce_sum3A_18 = vector.extract %reduce_sum3A_17[15] : i32 from vector<16xi32>
      %shift_right_arithmetic3A = arith.constant 4 : i32
      %shift_right_arithmetic3A_19 = arith.shrsi %reduce_sum3A_18, %shift_right_arithmetic3A : i32
      %add3A_20 = vector.broadcast %add3A_13 : i32 to vector<16xi32>
      %add3A_21 = arith.addi %broadcast_in_dim3A_3, %add3A_20 : vector<16xi32>
      %gather3A_22 = tpu.vector_load_idx %arg8[%add3A_21] : memref<512xi32, #tpu.memory_space<vmem>>[vector<16xi32>], vector<16xi32>,
      %reduce_sum3A_23 = arith.constant true
      %reduce_sum3A_24 = vector.broadcast %reduce_sum3A_23 : i1 to vector<16xi1>
      %reduce_sum3A_25 = tpu.scan <sum>, %gather3A_22 masked %reduce_sum3A_24 : vector<16xi32>, vector<16xi1> -> vector<16xi32>
      %reduce_sum3A_26 = vector.extract %reduce_sum3A_25[15] : i32 from vector<16xi32>
      %shift_right_arithmetic3A_27 = arith.constant 4 : i32
      %shift_right_arithmetic3A_28 = arith.shrsi %reduce_sum3A_26, %shift_right_arithmetic3A_27 : i32
      %shift_right_arithmetic3A_29 = arith.constant 7 : i32
      %shift_right_arithmetic3A_30 = arith.shrsi %shift_right_arithmetic3A_19, %shift_right_arithmetic3A_29 : i32
      %mul3A_31 = arith.constant 128 : i32
      %mul3A_32 = arith.muli %shift_right_arithmetic3A_30, %mul3A_31 : i32
      %multiple_of3A = tpu.assume_multiple %mul3A_32, 128 : i32
      %shift_right_arithmetic3A_33 = arith.constant 7 : i32
      %shift_right_arithmetic3A_34 = arith.shrsi %shift_right_arithmetic3A_28, %shift_right_arithmetic3A_33 : i32
      %mul3A_35 = arith.constant 128 : i32
      %mul3A_36 = arith.muli %shift_right_arithmetic3A_34, %mul3A_35 : i32
      %multiple_of3A_37 = tpu.assume_multiple %mul3A_36, 128 : i32
      %dma_start3A = arith.constant 0 : i32
      %dma_start3A_38 = arith.constant 0 : i32
      %dma_start3A_39 = arith.constant 0 : i32
      %dma_start3A_40 = tpu.memref_slice %arg9[%dma_start3A, %dma_start3A_38, %dma_start3A_39] : memref<4x64x128xf32, #tpu.memory_space<vmem>> -> memref<1x64x128xf32, #tpu.memory_space<vmem>>
      %dma_start3A_41 = tpu.memref_squeeze %dma_start3A_40 : memref<1x64x128xf32, #tpu.memory_space<vmem>> -> memref<64x128xf32, #tpu.memory_space<vmem>>
      %dma_start3A_42 = arith.constant 0 : i32
      %dma_start3A_43 = tpu.memref_slice %arg4[%dma_start3A_42, %multiple_of3A] : memref<64x1000000xf32, #tpu.memory_space<hbm>> -> memref<64x128xf32, #tpu.memory_space<hbm>>
      %dma_start3A_44 = arith.constant 0 : i32
      %dma_start3A_45 = arith.constant 0 : i32
      %dma_start3A_46 = tpu.memref_slice %arg9[%dma_start3A, %dma_start3A_44, %dma_start3A_45] : memref<4x64x128xf32, #tpu.memory_space<vmem>> -> memref<1x64x128xf32, #tpu.memory_space<vmem>>
      %dma_start3A_47 = tpu.memref_squeeze %dma_start3A_46 : memref<1x64x128xf32, #tpu.memory_space<vmem>> -> memref<64x128xf32, #tpu.memory_space<vmem>>
      %dma_start3A_48 = arith.constant 0 : i32
      %dma_start3A_49 = tpu.memref_slice %arg4[%dma_start3A_48, %multiple_of3A] : memref<64x1000000xf32, #tpu.memory_space<hbm>> -> memref<64x128xf32, #tpu.memory_space<hbm>>
      tpu.enqueue_dma source(%dma_start3A_49 : memref<64x128xf32, #tpu.memory_space<hbm>>) target(%dma_start3A_47 : memref<64x128xf32, #tpu.memory_space<vmem>>) target_semaphore(%arg13 : memref<!tpu.dma_semaphore, #tpu.memory_space<semaphore_mem>>)
      %dma_start3A_50 = arith.constant 0 : i32
      %dma_start3A_51 = arith.constant 0 : i32
      %dma_start3A_52 = arith.constant 0 : i32
      %dma_start3A_53 = tpu.memref_slice %arg10[%dma_start3A_50, %dma_start3A_51, %dma_start3A_52] : memref<4x64x128xf32, #tpu.memory_space<vmem>> -> memref<1x64x128xf32, #tpu.memory_space<vmem>>
      %dma_start3A_54 = tpu.memref_squeeze %dma_start3A_53 : memref<1x64x128xf32, #tpu.memory_space<vmem>> -> memref<64x128xf32, #tpu.memory_space<vmem>>
      %dma_start3A_55 = arith.constant 0 : i32
      %dma_start3A_56 = tpu.memref_slice %arg5[%dma_start3A_55, %multiple_of3A_37] : memref<64x1000000xf32, #tpu.memory_space<hbm>> -> memref<64x128xf32, #tpu.memory_space<hbm>>
      %dma_start3A_57 = arith.constant 0 : i32
      %dma_start3A_58 = arith.constant 0 : i32
      %dma_start3A_59 = tpu.memref_slice %arg10[%dma_start3A_50, %dma_start3A_57, %dma_start3A_58] : memref<4x64x128xf32, #tpu.memory_space<vmem>> -> memref<1x64x128xf32, #tpu.memory_space<vmem>>
      %dma_start3A_60 = tpu.memref_squeeze %dma_start3A_59 : memref<1x64x128xf32, #tpu.memory_space<vmem>> -> memref<64x128xf32, #tpu.memory_space<vmem>>
      %dma_start3A_61 = arith.constant 0 : i32
      %dma_start3A_62 = tpu.memref_slice %arg5[%dma_start3A_61, %multiple_of3A_37] : memref<64x1000000xf32, #tpu.memory_space<hbm>> -> memref<64x128xf32, #tpu.memory_space<hbm>>
      tpu.enqueue_dma source(%dma_start3A_62 : memref<64x128xf32, #tpu.memory_space<hbm>>) target(%dma_start3A_60 : memref<64x128xf32, #tpu.memory_space<vmem>>) target_semaphore(%arg13 : memref<!tpu.dma_semaphore, #tpu.memory_space<semaphore_mem>>)
      %mul3A_63 = arith.constant 4 : i32
      %mul3A_64 = arith.muli %scan3A_9, %mul3A_63 : i32
      %add3A_65 = arith.constant 1 : i32
      %add3A_66 = arith.addi %mul3A_64, %add3A_65 : i32
      %add3A_67 = vector.broadcast %add3A_66 : i32 to vector<16xi32>
      %add3A_68 = arith.addi %broadcast_in_dim3A_3, %add3A_67 : vector<16xi32>
      %gather3A_69 = tpu.vector_load_idx %arg7[%add3A_68] : memref<512xi32, #tpu.memory_space<vmem>>[vector<16xi32>], vector<16xi32>,
      %reduce_sum3A_70 = arith.constant true
      %reduce_sum3A_71 = vector.broadcast %reduce_sum3A_70 : i1 to vector<16xi1>
      %reduce_sum3A_72 = tpu.scan <sum>, %gather3A_69 masked %reduce_sum3A_71 : vector<16xi32>, vector<16xi1> -> vector<16xi32>
      %reduce_sum3A_73 = vector.extract %reduce_sum3A_72[15] : i32 from vector<16xi32>
      %shift_right_arithmetic3A_74 = arith.constant 4 : i32
      %shift_right_arithmetic3A_75 = arith.shrsi %reduce_sum3A_73, %shift_right_arithmetic3A_74 : i32
      %add3A_76 = vector.broadcast %add3A_66 : i32 to vector<16xi32>
      %add3A_77 = arith.addi %broadcast_in_dim3A_3, %add3A_76 : vector<16xi32>
      %gather3A_78 = tpu.vector_load_idx %arg8[%add3A_77] : memref<512xi32, #tpu.memory_space<vmem>>[vector<16xi32>], vector<16xi32>,
      %reduce_sum3A_79 = arith.constant true
      %reduce_sum3A_80 = vector.broadcast %reduce_sum3A_79 : i1 to vector<16xi1>
      %reduce_sum3A_81 = tpu.scan <sum>, %gather3A_78 masked %reduce_sum3A_80 : vector<16xi32>, vector<16xi1> -> vector<16xi32>
      %reduce_sum3A_82 = vector.extract %reduce_sum3A_81[15] : i32 from vector<16xi32>
      %shift_right_arithmetic3A_83 = arith.constant 4 : i32
      %shift_right_arithmetic3A_84 = arith.shrsi %reduce_sum3A_82, %shift_right_arithmetic3A_83 : i32
      %shift_right_arithmetic3A_85 = arith.constant 7 : i32
      %shift_right_arithmetic3A_86 = arith.shrsi %shift_right_arithmetic3A_75, %shift_right_arithmetic3A_85 : i32
      %mul3A_87 = arith.constant 128 : i32
      %mul3A_88 = arith.muli %shift_right_arithmetic3A_86, %mul3A_87 : i32
      %multiple_of3A_89 = tpu.assume_multiple %mul3A_88, 128 : i32
      %shift_right_arithmetic3A_90 = arith.constant 7 : i32
      %shift_right_arithmetic3A_91 = arith.shrsi %shift_right_arithmetic3A_84, %shift_right_arithmetic3A_90 : i32
      %mul3A_92 = arith.constant 128 : i32
      %mul3A_93 = arith.muli %shift_right_arithmetic3A_91, %mul3A_92 : i32
      %multiple_of3A_94 = tpu.assume_multiple %mul3A_93, 128 : i32
      %dma_start3A_95 = arith.constant 1 : i32
      %dma_start3A_96 = arith.constant 0 : i32
      %dma_start3A_97 = arith.constant 0 : i32
      %dma_start3A_98 = tpu.memref_slice %arg9[%dma_start3A_95, %dma_start3A_96, %dma_start3A_97] : memref<4x64x128xf32, #tpu.memory_space<vmem>> -> memref<1x64x128xf32, #tpu.memory_space<vmem>>
      %dma_start3A_99 = tpu.memref_squeeze %dma_start3A_98 : memref<1x64x128xf32, #tpu.memory_space<vmem>> -> memref<64x128xf32, #tpu.memory_space<vmem>>
      %dma_start3A_100 = arith.constant 0 : i32
      %dma_start3A_101 = tpu.memref_slice %arg4[%dma_start3A_100, %multiple_of3A_89] : memref<64x1000000xf32, #tpu.memory_space<hbm>> -> memref<64x128xf32, #tpu.memory_space<hbm>>
      %dma_start3A_102 = arith.constant 0 : i32
      %dma_start3A_103 = arith.constant 0 : i32
      %dma_start3A_104 = tpu.memref_slice %arg9[%dma_start3A_95, %dma_start3A_102, %dma_start3A_103] : memref<4x64x128xf32, #tpu.memory_space<vmem>> -> memref<1x64x128xf32, #tpu.memory_space<vmem>>
      %dma_start3A_105 = tpu.memref_squeeze %dma_start3A_104 : memref<1x64x128xf32, #tpu.memory_space<vmem>> -> memref<64x128xf32, #tpu.memory_space<vmem>>
      %dma_start3A_106 = arith.constant 0 : i32
      %dma_start3A_107 = tpu.memref_slice %arg4[%dma_start3A_106, %multiple_of3A_89] : memref<64x1000000xf32, #tpu.memory_space<hbm>> -> memref<64x128xf32, #tpu.memory_space<hbm>>
      tpu.enqueue_dma source(%dma_start3A_107 : memref<64x128xf32, #tpu.memory_space<hbm>>) target(%dma_start3A_105 : memref<64x128xf32, #tpu.memory_space<vmem>>) target_semaphore(%arg14 : memref<!tpu.dma_semaphore, #tpu.memory_space<semaphore_mem>>)
      %dma_start3A_108 = arith.constant 1 : i32
      %dma_start3A_109 = arith.constant 0 : i32
      %dma_start3A_110 = arith.constant 0 : i32
      %dma_start3A_111 = tpu.memref_slice %arg10[%dma_start3A_108, %dma_start3A_109, %dma_start3A_110] : memref<4x64x128xf32, #tpu.memory_space<vmem>> -> memref<1x64x128xf32, #tpu.memory_space<vmem>>
      %dma_start3A_112 = tpu.memref_squeeze %dma_start3A_111 : memref<1x64x128xf32, #tpu.memory_space<vmem>> -> memref<64x128xf32, #tpu.memory_space<vmem>>
      %dma_start3A_113 = arith.constant 0 : i32
      %dma_start3A_114 = tpu.memref_slice %arg5[%dma_start3A_113, %multiple_of3A_94] : memref<64x1000000xf32, #tpu.memory_space<hbm>> -> memref<64x128xf32, #tpu.memory_space<hbm>>
      %dma_start3A_115 = arith.constant 0 : i32
      %dma_start3A_116 = arith.constant 0 : i32
      %dma_start3A_117 = tpu.memref_slice %arg10[%dma_start3A_108, %dma_start3A_115, %dma_start3A_116] : memref<4x64x128xf32, #tpu.memory_space<vmem>> -> memref<1x64x128xf32, #tpu.memory_space<vmem>>
      %dma_start3A_118 = tpu.memref_squeeze %dma_start3A_117 : memref<1x64x128xf32, #tpu.memory_space<vmem>> -> memref<64x128xf32, #tpu.memory_space<vmem>>
      %dma_start3A_119 = arith.constant 0 : i32
      %dma_start3A_120 = tpu.memref_slice %arg5[%dma_start3A_119, %multiple_of3A_94] : memref<64x1000000xf32, #tpu.memory_space<hbm>> -> memref<64x128xf32, #tpu.memory_space<hbm>>
      tpu.enqueue_dma source(%dma_start3A_120 : memref<64x128xf32, #tpu.memory_space<hbm>>) target(%dma_start3A_118 : memref<64x128xf32, #tpu.memory_space<vmem>>) target_semaphore(%arg14 : memref<!tpu.dma_semaphore, #tpu.memory_space<semaphore_mem>>)
      %mul3A_121 = arith.constant 4 : i32
      %mul3A_122 = arith.muli %scan3A_9, %mul3A_121 : i32
      %add3A_123 = arith.constant 2 : i32
      %add3A_124 = arith.addi %mul3A_122, %add3A_123 : i32
      %add3A_125 = vector.broadcast %add3A_124 : i32 to vector<16xi32>
      %add3A_126 = arith.addi %broadcast_in_dim3A_3, %add3A_125 : vector<16xi32>
      %gather3A_127 = tpu.vector_load_idx %arg7[%add3A_126] : memref<512xi32, #tpu.memory_space<vmem>>[vector<16xi32>], vector<16xi32>,
      %reduce_sum3A_128 = arith.constant true
      %reduce_sum3A_129 = vector.broadcast %reduce_sum3A_128 : i1 to vector<16xi1>
      %reduce_sum3A_130 = tpu.scan <sum>, %gather3A_127 masked %reduce_sum3A_129 : vector<16xi32>, vector<16xi1> -> vector<16xi32>
      %reduce_sum3A_131 = vector.extract %reduce_sum3A_130[15] : i32 from vector<16xi32>
      %shift_right_arithmetic3A_132 = arith.constant 4 : i32
      %shift_right_arithmetic3A_133 = arith.shrsi %reduce_sum3A_131, %shift_right_arithmetic3A_132 : i32
      %add3A_134 = vector.broadcast %add3A_124 : i32 to vector<16xi32>
      %add3A_135 = arith.addi %broadcast_in_dim3A_3, %add3A_134 : vector<16xi32>
      %gather3A_136 = tpu.vector_load_idx %arg8[%add3A_135] : memref<512xi32, #tpu.memory_space<vmem>>[vector<16xi32>], vector<16xi32>,
      %reduce_sum3A_137 = arith.constant true
      %reduce_sum3A_138 = vector.broadcast %reduce_sum3A_137 : i1 to vector<16xi1>
      %reduce_sum3A_139 = tpu.scan <sum>, %gather3A_136 masked %reduce_sum3A_138 : vector<16xi32>, vector<16xi1> -> vector<16xi32>
      %reduce_sum3A_140 = vector.extract %reduce_sum3A_139[15] : i32 from vector<16xi32>
      %shift_right_arithmetic3A_141 = arith.constant 4 : i32
      %shift_right_arithmetic3A_142 = arith.shrsi %reduce_sum3A_140, %shift_right_arithmetic3A_141 : i32
      %shift_right_arithmetic3A_143 = arith.constant 7 : i32
      %shift_right_arithmetic3A_144 = arith.shrsi %shift_right_arithmetic3A_133, %shift_right_arithmetic3A_143 : i32
      %mul3A_145 = arith.constant 128 : i32
      %mul3A_146 = arith.muli %shift_right_arithmetic3A_144, %mul3A_145 : i32
      %multiple_of3A_147 = tpu.assume_multiple %mul3A_146, 128 : i32
      %shift_right_arithmetic3A_148 = arith.constant 7 : i32
      %shift_right_arithmetic3A_149 = arith.shrsi %shift_right_arithmetic3A_142, %shift_right_arithmetic3A_148 : i32
      %mul3A_150 = arith.constant 128 : i32
      %mul3A_151 = arith.muli %shift_right_arithmetic3A_149, %mul3A_150 : i32
      %multiple_of3A_152 = tpu.assume_multiple %mul3A_151, 128 : i32
      %dma_start3A_153 = arith.constant 2 : i32
      %dma_start3A_154 = arith.constant 0 : i32
      %dma_start3A_155 = arith.constant 0 : i32
      %dma_start3A_156 = tpu.memref_slice %arg9[%dma_start3A_153, %dma_start3A_154, %dma_start3A_155] : memref<4x64x128xf32, #tpu.memory_space<vmem>> -> memref<1x64x128xf32, #tpu.memory_space<vmem>>
      %dma_start3A_157 = tpu.memref_squeeze %dma_start3A_156 : memref<1x64x128xf32, #tpu.memory_space<vmem>> -> memref<64x128xf32, #tpu.memory_space<vmem>>
      %dma_start3A_158 = arith.constant 0 : i32
      %dma_start3A_159 = tpu.memref_slice %arg4[%dma_start3A_158, %multiple_of3A_147] : memref<64x1000000xf32, #tpu.memory_space<hbm>> -> memref<64x128xf32, #tpu.memory_space<hbm>>
      %dma_start3A_160 = arith.constant 0 : i32
      %dma_start3A_161 = arith.constant 0 : i32
      %dma_start3A_162 = tpu.memref_slice %arg9[%dma_start3A_153, %dma_start3A_160, %dma_start3A_161] : memref<4x64x128xf32, #tpu.memory_space<vmem>> -> memref<1x64x128xf32, #tpu.memory_space<vmem>>
      %dma_start3A_163 = tpu.memref_squeeze %dma_start3A_162 : memref<1x64x128xf32, #tpu.memory_space<vmem>> -> memref<64x128xf32, #tpu.memory_space<vmem>>
      %dma_start3A_164 = arith.constant 0 : i32
      %dma_start3A_165 = tpu.memref_slice %arg4[%dma_start3A_164, %multiple_of3A_147] : memref<64x1000000xf32, #tpu.memory_space<hbm>> -> memref<64x128xf32, #tpu.memory_space<hbm>>
      tpu.enqueue_dma source(%dma_start3A_165 : memref<64x128xf32, #tpu.memory_space<hbm>>) target(%dma_start3A_163 : memref<64x128xf32, #tpu.memory_space<vmem>>) target_semaphore(%arg15 : memref<!tpu.dma_semaphore, #tpu.memory_space<semaphore_mem>>)
      %dma_start3A_166 = arith.constant 2 : i32
      %dma_start3A_167 = arith.constant 0 : i32
      %dma_start3A_168 = arith.constant 0 : i32
      %dma_start3A_169 = tpu.memref_slice %arg10[%dma_start3A_166, %dma_start3A_167, %dma_start3A_168] : memref<4x64x128xf32, #tpu.memory_space<vmem>> -> memref<1x64x128xf32, #tpu.memory_space<vmem>>
      %dma_start3A_170 = tpu.memref_squeeze %dma_start3A_169 : memref<1x64x128xf32, #tpu.memory_space<vmem>> -> memref<64x128xf32, #tpu.memory_space<vmem>>
      %dma_start3A_171 = arith.constant 0 : i32
      %dma_start3A_172 = tpu.memref_slice %arg5[%dma_start3A_171, %multiple_of3A_152] : memref<64x1000000xf32, #tpu.memory_space<hbm>> -> memref<64x128xf32, #tpu.memory_space<hbm>>
      %dma_start3A_173 = arith.constant 0 : i32
      %dma_start3A_174 = arith.constant 0 : i32
      %dma_start3A_175 = tpu.memref_slice %arg10[%dma_start3A_166, %dma_start3A_173, %dma_start3A_174] : memref<4x64x128xf32, #tpu.memory_space<vmem>> -> memref<1x64x128xf32, #tpu.memory_space<vmem>>
      %dma_start3A_176 = tpu.memref_squeeze %dma_start3A_175 : memref<1x64x128xf32, #tpu.memory_space<vmem>> -> memref<64x128xf32, #tpu.memory_space<vmem>>
      %dma_start3A_177 = arith.constant 0 : i32
      %dma_start3A_178 = tpu.memref_slice %arg5[%dma_start3A_177, %multiple_of3A_152] : memref<64x1000000xf32, #tpu.memory_space<hbm>> -> memref<64x128xf32, #tpu.memory_space<hbm>>
      tpu.enqueue_dma source(%dma_start3A_178 : memref<64x128xf32, #tpu.memory_space<hbm>>) target(%dma_start3A_176 : memref<64x128xf32, #tpu.memory_space<vmem>>) target_semaphore(%arg15 : memref<!tpu.dma_semaphore, #tpu.memory_space<semaphore_mem>>)
      %mul3A_179 = arith.constant 4 : i32
      %mul3A_180 = arith.muli %scan3A_9, %mul3A_179 : i32
      %add3A_181 = arith.constant 3 : i32
      %add3A_182 = arith.addi %mul3A_180, %add3A_181 : i32
      %add3A_183 = vector.broadcast %add3A_182 : i32 to vector<16xi32>
      %add3A_184 = arith.addi %broadcast_in_dim3A_3, %add3A_183 : vector<16xi32>
      %gather3A_185 = tpu.vector_load_idx %arg7[%add3A_184] : memref<512xi32, #tpu.memory_space<vmem>>[vector<16xi32>], vector<16xi32>,
      %reduce_sum3A_186 = arith.constant true
      %reduce_sum3A_187 = vector.broadcast %reduce_sum3A_186 : i1 to vector<16xi1>
      %reduce_sum3A_188 = tpu.scan <sum>, %gather3A_185 masked %reduce_sum3A_187 : vector<16xi32>, vector<16xi1> -> vector<16xi32>
      %reduce_sum3A_189 = vector.extract %reduce_sum3A_188[15] : i32 from vector<16xi32>
      %shift_right_arithmetic3A_190 = arith.constant 4 : i32
      %shift_right_arithmetic3A_191 = arith.shrsi %reduce_sum3A_189, %shift_right_arithmetic3A_190 : i32
      %add3A_192 = vector.broadcast %add3A_182 : i32 to vector<16xi32>
      %add3A_193 = arith.addi %broadcast_in_dim3A_3, %add3A_192 : vector<16xi32>
      %gather3A_194 = tpu.vector_load_idx %arg8[%add3A_193] : memref<512xi32, #tpu.memory_space<vmem>>[vector<16xi32>], vector<16xi32>,
      %reduce_sum3A_195 = arith.constant true
      %reduce_sum3A_196 = vector.broadcast %reduce_sum3A_195 : i1 to vector<16xi1>
      %reduce_sum3A_197 = tpu.scan <sum>, %gather3A_194 masked %reduce_sum3A_196 : vector<16xi32>, vector<16xi1> -> vector<16xi32>
      %reduce_sum3A_198 = vector.extract %reduce_sum3A_197[15] : i32 from vector<16xi32>
      %shift_right_arithmetic3A_199 = arith.constant 4 : i32
      %shift_right_arithmetic3A_200 = arith.shrsi %reduce_sum3A_198, %shift_right_arithmetic3A_199 : i32
      %shift_right_arithmetic3A_201 = arith.constant 7 : i32
      %shift_right_arithmetic3A_202 = arith.shrsi %shift_right_arithmetic3A_191, %shift_right_arithmetic3A_201 : i32
      %mul3A_203 = arith.constant 128 : i32
      %mul3A_204 = arith.muli %shift_right_arithmetic3A_202, %mul3A_203 : i32
      %multiple_of3A_205 = tpu.assume_multiple %mul3A_204, 128 : i32
      %shift_right_arithmetic3A_206 = arith.constant 7 : i32
      %shift_right_arithmetic3A_207 = arith.shrsi %shift_right_arithmetic3A_200, %shift_right_arithmetic3A_206 : i32
      %mul3A_208 = arith.constant 128 : i32
      %mul3A_209 = arith.muli %shift_right_arithmetic3A_207, %mul3A_208 : i32
      %multiple_of3A_210 = tpu.assume_multiple %mul3A_209, 128 : i32
      %dma_start3A_211 = arith.constant 3 : i32
      %dma_start3A_212 = arith.constant 0 : i32
      %dma_start3A_213 = arith.constant 0 : i32
      %dma_start3A_214 = tpu.memref_slice %arg9[%dma_start3A_211, %dma_start3A_212, %dma_start3A_213] : memref<4x64x128xf32, #tpu.memory_space<vmem>> -> memref<1x64x128xf32, #tpu.memory_space<vmem>>
      %dma_start3A_215 = tpu.memref_squeeze %dma_start3A_214 : memref<1x64x128xf32, #tpu.memory_space<vmem>> -> memref<64x128xf32, #tpu.memory_space<vmem>>
      %dma_start3A_216 = arith.constant 0 : i32
      %dma_start3A_217 = tpu.memref_slice %arg4[%dma_start3A_216, %multiple_of3A_205] : memref<64x1000000xf32, #tpu.memory_space<hbm>> -> memref<64x128xf32, #tpu.memory_space<hbm>>
      %dma_start3A_218 = arith.constant 0 : i32
      %dma_start3A_219 = arith.constant 0 : i32
      %dma_start3A_220 = tpu.memref_slice %arg9[%dma_start3A_211, %dma_start3A_218, %dma_start3A_219] : memref<4x64x128xf32, #tpu.memory_space<vmem>> -> memref<1x64x128xf32, #tpu.memory_space<vmem>>
      %dma_start3A_221 = tpu.memref_squeeze %dma_start3A_220 : memref<1x64x128xf32, #tpu.memory_space<vmem>> -> memref<64x128xf32, #tpu.memory_space<vmem>>
      %dma_start3A_222 = arith.constant 0 : i32
      %dma_start3A_223 = tpu.memref_slice %arg4[%dma_start3A_222, %multiple_of3A_205] : memref<64x1000000xf32, #tpu.memory_space<hbm>> -> memref<64x128xf32, #tpu.memory_space<hbm>>
      tpu.enqueue_dma source(%dma_start3A_223 : memref<64x128xf32, #tpu.memory_space<hbm>>) target(%dma_start3A_221 : memref<64x128xf32, #tpu.memory_space<vmem>>) target_semaphore(%arg16 : memref<!tpu.dma_semaphore, #tpu.memory_space<semaphore_mem>>)
      %dma_start3A_224 = arith.constant 3 : i32
      %dma_start3A_225 = arith.constant 0 : i32
      %dma_start3A_226 = arith.constant 0 : i32
      %dma_start3A_227 = tpu.memref_slice %arg10[%dma_start3A_224, %dma_start3A_225, %dma_start3A_226] : memref<4x64x128xf32, #tpu.memory_space<vmem>> -> memref<1x64x128xf32, #tpu.memory_space<vmem>>
      %dma_start3A_228 = tpu.memref_squeeze %dma_start3A_227 : memref<1x64x128xf32, #tpu.memory_space<vmem>> -> memref<64x128xf32, #tpu.memory_space<vmem>>
      %dma_start3A_229 = arith.constant 0 : i32
      %dma_start3A_230 = tpu.memref_slice %arg5[%dma_start3A_229, %multiple_of3A_210] : memref<64x1000000xf32, #tpu.memory_space<hbm>> -> memref<64x128xf32, #tpu.memory_space<hbm>>
      %dma_start3A_231 = arith.constant 0 : i32
      %dma_start3A_232 = arith.constant 0 : i32
      %dma_start3A_233 = tpu.memref_slice %arg10[%dma_start3A_224, %dma_start3A_231, %dma_start3A_232] : memref<4x64x128xf32, #tpu.memory_space<vmem>> -> memref<1x64x128xf32, #tpu.memory_space<vmem>>
      %dma_start3A_234 = tpu.memref_squeeze %dma_start3A_233 : memref<1x64x128xf32, #tpu.memory_space<vmem>> -> memref<64x128xf32, #tpu.memory_space<vmem>>
      %dma_start3A_235 = arith.constant 0 : i32
      %dma_start3A_236 = tpu.memref_slice %arg5[%dma_start3A_235, %multiple_of3A_210] : memref<64x1000000xf32, #tpu.memory_space<hbm>> -> memref<64x128xf32, #tpu.memory_space<hbm>>
      tpu.enqueue_dma source(%dma_start3A_236 : memref<64x128xf32, #tpu.memory_space<hbm>>) target(%dma_start3A_234 : memref<64x128xf32, #tpu.memory_space<vmem>>) target_semaphore(%arg16 : memref<!tpu.dma_semaphore, #tpu.memory_space<semaphore_mem>>)
      %dma_wait3A = arith.constant 0 : i32
      %dma_wait3A_237 = arith.constant 0 : i32
      %dma_wait3A_238 = arith.constant 0 : i32
      %dma_wait3A_239 = tpu.memref_slice %arg9[%dma_wait3A, %dma_wait3A_237, %dma_wait3A_238] : memref<4x64x128xf32, #tpu.memory_space<vmem>> -> memref<1x64x128xf32, #tpu.memory_space<vmem>>
      %dma_wait3A_240 = tpu.memref_squeeze %dma_wait3A_239 : memref<1x64x128xf32, #tpu.memory_space<vmem>> -> memref<64x128xf32, #tpu.memory_space<vmem>>
      %dma_wait3A_241 = arith.constant 0 : i32
      %dma_wait3A_242 = arith.constant 0 : i32
      %dma_wait3A_243 = tpu.memref_slice %arg4[%dma_wait3A_241, %dma_wait3A_242] : memref<64x1000000xf32, #tpu.memory_space<hbm>> -> memref<64x128xf32, #tpu.memory_space<hbm>>
      %dma_wait3A_244 = arith.constant 0 : i32
      %dma_wait3A_245 = arith.constant 0 : i32
      %dma_wait3A_246 = tpu.memref_slice %arg9[%dma_wait3A, %dma_wait3A_244, %dma_wait3A_245] : memref<4x64x128xf32, #tpu.memory_space<vmem>> -> memref<1x64x128xf32, #tpu.memory_space<vmem>>
      %dma_wait3A_247 = tpu.memref_squeeze %dma_wait3A_246 : memref<1x64x128xf32, #tpu.memory_space<vmem>> -> memref<64x128xf32, #tpu.memory_space<vmem>>
      %dma_wait3A_248 = arith.constant 0 : i32
      %dma_wait3A_249 = arith.constant 0 : i32
      %dma_wait3A_250 = tpu.memref_slice %arg4[%dma_wait3A_248, %dma_wait3A_249] : memref<64x1000000xf32, #tpu.memory_space<hbm>> -> memref<64x128xf32, #tpu.memory_space<hbm>>
      tpu.wait_dma2 semaphore(%arg13 : memref<!tpu.dma_semaphore, #tpu.memory_space<semaphore_mem>>) src(%dma_wait3A_250 : memref<64x128xf32, #tpu.memory_space<hbm>>) dst(%dma_wait3A_247 : memref<64x128xf32, #tpu.memory_space<vmem>>)
      %dma_wait3A_251 = arith.constant 0 : i32
      %dma_wait3A_252 = arith.constant 0 : i32
      %dma_wait3A_253 = arith.constant 0 : i32
      %dma_wait3A_254 = tpu.memref_slice %arg10[%dma_wait3A_251, %dma_wait3A_252, %dma_wait3A_253] : memref<4x64x128xf32, #tpu.memory_space<vmem>> -> memref<1x64x128xf32, #tpu.memory_space<vmem>>
      %dma_wait3A_255 = tpu.memref_squeeze %dma_wait3A_254 : memref<1x64x128xf32, #tpu.memory_space<vmem>> -> memref<64x128xf32, #tpu.memory_space<vmem>>
      %dma_wait3A_256 = arith.constant 0 : i32
      %dma_wait3A_257 = arith.constant 0 : i32
      %dma_wait3A_258 = tpu.memref_slice %arg5[%dma_wait3A_256, %dma_wait3A_257] : memref<64x1000000xf32, #tpu.memory_space<hbm>> -> memref<64x128xf32, #tpu.memory_space<hbm>>
      %dma_wait3A_259 = arith.constant 0 : i32
      %dma_wait3A_260 = arith.constant 0 : i32
      %dma_wait3A_261 = tpu.memref_slice %arg10[%dma_wait3A_251, %dma_wait3A_259, %dma_wait3A_260] : memref<4x64x128xf32, #tpu.memory_space<vmem>> -> memref<1x64x128xf32, #tpu.memory_space<vmem>>
      %dma_wait3A_262 = tpu.memref_squeeze %dma_wait3A_261 : memref<1x64x128xf32, #tpu.memory_space<vmem>> -> memref<64x128xf32, #tpu.memory_space<vmem>>
      %dma_wait3A_263 = arith.constant 0 : i32
      %dma_wait3A_264 = arith.constant 0 : i32
      %dma_wait3A_265 = tpu.memref_slice %arg5[%dma_wait3A_263, %dma_wait3A_264] : memref<64x1000000xf32, #tpu.memory_space<hbm>> -> memref<64x128xf32, #tpu.memory_space<hbm>>
      tpu.wait_dma2 semaphore(%arg13 : memref<!tpu.dma_semaphore, #tpu.memory_space<semaphore_mem>>) src(%dma_wait3A_265 : memref<64x128xf32, #tpu.memory_space<hbm>>) dst(%dma_wait3A_262 : memref<64x128xf32, #tpu.memory_space<vmem>>)
      %dma_wait3A_266 = arith.constant 1 : i32
      %dma_wait3A_267 = arith.constant 0 : i32
      %dma_wait3A_268 = arith.constant 0 : i32
      %dma_wait3A_269 = tpu.memref_slice %arg9[%dma_wait3A_266, %dma_wait3A_267, %dma_wait3A_268] : memref<4x64x128xf32, #tpu.memory_space<vmem>> -> memref<1x64x128xf32, #tpu.memory_space<vmem>>
      %dma_wait3A_270 = tpu.memref_squeeze %dma_wait3A_269 : memref<1x64x128xf32, #tpu.memory_space<vmem>> -> memref<64x128xf32, #tpu.memory_space<vmem>>
      %dma_wait3A_271 = arith.constant 0 : i32
      %dma_wait3A_272 = arith.constant 0 : i32
      %dma_wait3A_273 = tpu.memref_slice %arg4[%dma_wait3A_271, %dma_wait3A_272] : memref<64x1000000xf32, #tpu.memory_space<hbm>> -> memref<64x128xf32, #tpu.memory_space<hbm>>
      %dma_wait3A_274 = arith.constant 0 : i32
      %dma_wait3A_275 = arith.constant 0 : i32
      %dma_wait3A_276 = tpu.memref_slice %arg9[%dma_wait3A_266, %dma_wait3A_274, %dma_wait3A_275] : memref<4x64x128xf32, #tpu.memory_space<vmem>> -> memref<1x64x128xf32, #tpu.memory_space<vmem>>
      %dma_wait3A_277 = tpu.memref_squeeze %dma_wait3A_276 : memref<1x64x128xf32, #tpu.memory_space<vmem>> -> memref<64x128xf32, #tpu.memory_space<vmem>>
      %dma_wait3A_278 = arith.constant 0 : i32
      %dma_wait3A_279 = arith.constant 0 : i32
      %dma_wait3A_280 = tpu.memref_slice %arg4[%dma_wait3A_278, %dma_wait3A_279] : memref<64x1000000xf32, #tpu.memory_space<hbm>> -> memref<64x128xf32, #tpu.memory_space<hbm>>
      tpu.wait_dma2 semaphore(%arg14 : memref<!tpu.dma_semaphore, #tpu.memory_space<semaphore_mem>>) src(%dma_wait3A_280 : memref<64x128xf32, #tpu.memory_space<hbm>>) dst(%dma_wait3A_277 : memref<64x128xf32, #tpu.memory_space<vmem>>)
      %dma_wait3A_281 = arith.constant 1 : i32
      %dma_wait3A_282 = arith.constant 0 : i32
      %dma_wait3A_283 = arith.constant 0 : i32
      %dma_wait3A_284 = tpu.memref_slice %arg10[%dma_wait3A_281, %dma_wait3A_282, %dma_wait3A_283] : memref<4x64x128xf32, #tpu.memory_space<vmem>> -> memref<1x64x128xf32, #tpu.memory_space<vmem>>
      %dma_wait3A_285 = tpu.memref_squeeze %dma_wait3A_284 : memref<1x64x128xf32, #tpu.memory_space<vmem>> -> memref<64x128xf32, #tpu.memory_space<vmem>>
      %dma_wait3A_286 = arith.constant 0 : i32
      %dma_wait3A_287 = arith.constant 0 : i32
      %dma_wait3A_288 = tpu.memref_slice %arg5[%dma_wait3A_286, %dma_wait3A_287] : memref<64x1000000xf32, #tpu.memory_space<hbm>> -> memref<64x128xf32, #tpu.memory_space<hbm>>
      %dma_wait3A_289 = arith.constant 0 : i32
      %dma_wait3A_290 = arith.constant 0 : i32
      %dma_wait3A_291 = tpu.memref_slice %arg10[%dma_wait3A_281, %dma_wait3A_289, %dma_wait3A_290] : memref<4x64x128xf32, #tpu.memory_space<vmem>> -> memref<1x64x128xf32, #tpu.memory_space<vmem>>
      %dma_wait3A_292 = tpu.memref_squeeze %dma_wait3A_291 : memref<1x64x128xf32, #tpu.memory_space<vmem>> -> memref<64x128xf32, #tpu.memory_space<vmem>>
      %dma_wait3A_293 = arith.constant 0 : i32
      %dma_wait3A_294 = arith.constant 0 : i32
      %dma_wait3A_295 = tpu.memref_slice %arg5[%dma_wait3A_293, %dma_wait3A_294] : memref<64x1000000xf32, #tpu.memory_space<hbm>> -> memref<64x128xf32, #tpu.memory_space<hbm>>
      tpu.wait_dma2 semaphore(%arg14 : memref<!tpu.dma_semaphore, #tpu.memory_space<semaphore_mem>>) src(%dma_wait3A_295 : memref<64x128xf32, #tpu.memory_space<hbm>>) dst(%dma_wait3A_292 : memref<64x128xf32, #tpu.memory_space<vmem>>)
      %dma_wait3A_296 = arith.constant 2 : i32
      %dma_wait3A_297 = arith.constant 0 : i32
      %dma_wait3A_298 = arith.constant 0 : i32
      %dma_wait3A_299 = tpu.memref_slice %arg9[%dma_wait3A_296, %dma_wait3A_297, %dma_wait3A_298] : memref<4x64x128xf32, #tpu.memory_space<vmem>> -> memref<1x64x128xf32, #tpu.memory_space<vmem>>
      %dma_wait3A_300 = tpu.memref_squeeze %dma_wait3A_299 : memref<1x64x128xf32, #tpu.memory_space<vmem>> -> memref<64x128xf32, #tpu.memory_space<vmem>>
      %dma_wait3A_301 = arith.constant 0 : i32
      %dma_wait3A_302 = arith.constant 0 : i32
      %dma_wait3A_303 = tpu.memref_slice %arg4[%dma_wait3A_301, %dma_wait3A_302] : memref<64x1000000xf32, #tpu.memory_space<hbm>> -> memref<64x128xf32, #tpu.memory_space<hbm>>
      %dma_wait3A_304 = arith.constant 0 : i32
      %dma_wait3A_305 = arith.constant 0 : i32
      %dma_wait3A_306 = tpu.memref_slice %arg9[%dma_wait3A_296, %dma_wait3A_304, %dma_wait3A_305] : memref<4x64x128xf32, #tpu.memory_space<vmem>> -> memref<1x64x128xf32, #tpu.memory_space<vmem>>
      %dma_wait3A_307 = tpu.memref_squeeze %dma_wait3A_306 : memref<1x64x128xf32, #tpu.memory_space<vmem>> -> memref<64x128xf32, #tpu.memory_space<vmem>>
      %dma_wait3A_308 = arith.constant 0 : i32
      %dma_wait3A_309 = arith.constant 0 : i32
      %dma_wait3A_310 = tpu.memref_slice %arg4[%dma_wait3A_308, %dma_wait3A_309] : memref<64x1000000xf32, #tpu.memory_space<hbm>> -> memref<64x128xf32, #tpu.memory_space<hbm>>
      tpu.wait_dma2 semaphore(%arg15 : memref<!tpu.dma_semaphore, #tpu.memory_space<semaphore_mem>>) src(%dma_wait3A_310 : memref<64x128xf32, #tpu.memory_space<hbm>>) dst(%dma_wait3A_307 : memref<64x128xf32, #tpu.memory_space<vmem>>)
      %dma_wait3A_311 = arith.constant 2 : i32
      %dma_wait3A_312 = arith.constant 0 : i32
      %dma_wait3A_313 = arith.constant 0 : i32
      %dma_wait3A_314 = tpu.memref_slice %arg10[%dma_wait3A_311, %dma_wait3A_312, %dma_wait3A_313] : memref<4x64x128xf32, #tpu.memory_space<vmem>> -> memref<1x64x128xf32, #tpu.memory_space<vmem>>
      %dma_wait3A_315 = tpu.memref_squeeze %dma_wait3A_314 : memref<1x64x128xf32, #tpu.memory_space<vmem>> -> memref<64x128xf32, #tpu.memory_space<vmem>>
      %dma_wait3A_316 = arith.constant 0 : i32
      %dma_wait3A_317 = arith.constant 0 : i32
      %dma_wait3A_318 = tpu.memref_slice %arg5[%dma_wait3A_316, %dma_wait3A_317] : memref<64x1000000xf32, #tpu.memory_space<hbm>> -> memref<64x128xf32, #tpu.memory_space<hbm>>
      %dma_wait3A_319 = arith.constant 0 : i32
      %dma_wait3A_320 = arith.constant 0 : i32
      %dma_wait3A_321 = tpu.memref_slice %arg10[%dma_wait3A_311, %dma_wait3A_319, %dma_wait3A_320] : memref<4x64x128xf32, #tpu.memory_space<vmem>> -> memref<1x64x128xf32, #tpu.memory_space<vmem>>
      %dma_wait3A_322 = tpu.memref_squeeze %dma_wait3A_321 : memref<1x64x128xf32, #tpu.memory_space<vmem>> -> memref<64x128xf32, #tpu.memory_space<vmem>>
      %dma_wait3A_323 = arith.constant 0 : i32
      %dma_wait3A_324 = arith.constant 0 : i32
      %dma_wait3A_325 = tpu.memref_slice %arg5[%dma_wait3A_323, %dma_wait3A_324] : memref<64x1000000xf32, #tpu.memory_space<hbm>> -> memref<64x128xf32, #tpu.memory_space<hbm>>
      tpu.wait_dma2 semaphore(%arg15 : memref<!tpu.dma_semaphore, #tpu.memory_space<semaphore_mem>>) src(%dma_wait3A_325 : memref<64x128xf32, #tpu.memory_space<hbm>>) dst(%dma_wait3A_322 : memref<64x128xf32, #tpu.memory_space<vmem>>)
      %dma_wait3A_326 = arith.constant 3 : i32
      %dma_wait3A_327 = arith.constant 0 : i32
      %dma_wait3A_328 = arith.constant 0 : i32
      %dma_wait3A_329 = tpu.memref_slice %arg9[%dma_wait3A_326, %dma_wait3A_327, %dma_wait3A_328] : memref<4x64x128xf32, #tpu.memory_space<vmem>> -> memref<1x64x128xf32, #tpu.memory_space<vmem>>
      %dma_wait3A_330 = tpu.memref_squeeze %dma_wait3A_329 : memref<1x64x128xf32, #tpu.memory_space<vmem>> -> memref<64x128xf32, #tpu.memory_space<vmem>>
      %dma_wait3A_331 = arith.constant 0 : i32
      %dma_wait3A_332 = arith.constant 0 : i32
      %dma_wait3A_333 = tpu.memref_slice %arg4[%dma_wait3A_331, %dma_wait3A_332] : memref<64x1000000xf32, #tpu.memory_space<hbm>> -> memref<64x128xf32, #tpu.memory_space<hbm>>
      %dma_wait3A_334 = arith.constant 0 : i32
      %dma_wait3A_335 = arith.constant 0 : i32
      %dma_wait3A_336 = tpu.memref_slice %arg9[%dma_wait3A_326, %dma_wait3A_334, %dma_wait3A_335] : memref<4x64x128xf32, #tpu.memory_space<vmem>> -> memref<1x64x128xf32, #tpu.memory_space<vmem>>
      %dma_wait3A_337 = tpu.memref_squeeze %dma_wait3A_336 : memref<1x64x128xf32, #tpu.memory_space<vmem>> -> memref<64x128xf32, #tpu.memory_space<vmem>>
      %dma_wait3A_338 = arith.constant 0 : i32
      %dma_wait3A_339 = arith.constant 0 : i32
      %dma_wait3A_340 = tpu.memref_slice %arg4[%dma_wait3A_338, %dma_wait3A_339] : memref<64x1000000xf32, #tpu.memory_space<hbm>> -> memref<64x128xf32, #tpu.memory_space<hbm>>
      tpu.wait_dma2 semaphore(%arg16 : memref<!tpu.dma_semaphore, #tpu.memory_space<semaphore_mem>>) src(%dma_wait3A_340 : memref<64x128xf32, #tpu.memory_space<hbm>>) dst(%dma_wait3A_337 : memref<64x128xf32, #tpu.memory_space<vmem>>)
      %dma_wait3A_341 = arith.constant 3 : i32
      %dma_wait3A_342 = arith.constant 0 : i32
      %dma_wait3A_343 = arith.constant 0 : i32
      %dma_wait3A_344 = tpu.memref_slice %arg10[%dma_wait3A_341, %dma_wait3A_342, %dma_wait3A_343] : memref<4x64x128xf32, #tpu.memory_space<vmem>> -> memref<1x64x128xf32, #tpu.memory_space<vmem>>
      %dma_wait3A_345 = tpu.memref_squeeze %dma_wait3A_344 : memref<1x64x128xf32, #tpu.memory_space<vmem>> -> memref<64x128xf32, #tpu.memory_space<vmem>>
      %dma_wait3A_346 = arith.constant 0 : i32
      %dma_wait3A_347 = arith.constant 0 : i32
      %dma_wait3A_348 = tpu.memref_slice %arg5[%dma_wait3A_346, %dma_wait3A_347] : memref<64x1000000xf32, #tpu.memory_space<hbm>> -> memref<64x128xf32, #tpu.memory_space<hbm>>
      %dma_wait3A_349 = arith.constant 0 : i32
      %dma_wait3A_350 = arith.constant 0 : i32
      %dma_wait3A_351 = tpu.memref_slice %arg10[%dma_wait3A_341, %dma_wait3A_349, %dma_wait3A_350] : memref<4x64x128xf32, #tpu.memory_space<vmem>> -> memref<1x64x128xf32, #tpu.memory_space<vmem>>
      %dma_wait3A_352 = tpu.memref_squeeze %dma_wait3A_351 : memref<1x64x128xf32, #tpu.memory_space<vmem>> -> memref<64x128xf32, #tpu.memory_space<vmem>>
      %dma_wait3A_353 = arith.constant 0 : i32
      %dma_wait3A_354 = arith.constant 0 : i32
      %dma_wait3A_355 = tpu.memref_slice %arg5[%dma_wait3A_353, %dma_wait3A_354] : memref<64x1000000xf32, #tpu.memory_space<hbm>> -> memref<64x128xf32, #tpu.memory_space<hbm>>
      tpu.wait_dma2 semaphore(%arg16 : memref<!tpu.dma_semaphore, #tpu.memory_space<semaphore_mem>>) src(%dma_wait3A_355 : memref<64x128xf32, #tpu.memory_space<hbm>>) dst(%dma_wait3A_352 : memref<64x128xf32, #tpu.memory_space<vmem>>)
      %mul3A_356 = arith.constant 4 : i32
      %mul3A_357 = arith.muli %scan3A_9, %mul3A_356 : i32
      %add3A_358 = arith.constant 0 : i32
      %add3A_359 = arith.addi %mul3A_357, %add3A_358 : i32
      %add3A_360 = vector.broadcast %add3A_359 : i32 to vector<16xi32>
      %add3A_361 = arith.addi %broadcast_in_dim3A_3, %add3A_360 : vector<16xi32>
      %gather3A_362 = tpu.vector_load_idx %arg7[%add3A_361] : memref<512xi32, #tpu.memory_space<vmem>>[vector<16xi32>], vector<16xi32>,
      %and3A = arith.constant 127 : i32
      %and3A_363 = vector.broadcast %and3A : i32 to vector<16xi32>
      %and3A_364 = arith.andi %gather3A_362, %and3A_363 : vector<16xi32>
      %add3A_365 = vector.broadcast %add3A_359 : i32 to vector<16xi32>
      %add3A_366 = arith.addi %broadcast_in_dim3A_3, %add3A_365 : vector<16xi32>
      %gather3A_367 = tpu.vector_load_idx %arg8[%add3A_366] : memref<512xi32, #tpu.memory_space<vmem>>[vector<16xi32>], vector<16xi32>,
      %and3A_368 = arith.constant 127 : i32
      %and3A_369 = vector.broadcast %and3A_368 : i32 to vector<16xi32>
      %and3A_370 = arith.andi %gather3A_367, %and3A_369 : vector<16xi32>
      %add3A_371 = arith.constant 0 : i32
      %add3A_372 = vector.broadcast %add3A_371 : i32 to vector<16xi32>
      %add3A_373 = arith.addi %broadcast_in_dim3A_3, %add3A_372 : vector<16xi32>
      %broadcast_in_dim3A_374 = arith.constant 0.000000e+00 : f32
      %broadcast_in_dim3A_375 = vector.broadcast %broadcast_in_dim3A_374 : f32 to vector<16xf32>
      %add3A_376 = arith.constant 0 : i32
      %add3A_377 = vector.broadcast %add3A_376 : i32 to vector<16xi32>
      %add3A_378 = arith.addi %iota3A, %add3A_377 : vector<16xi32>
      %gather3A_379 = tpu.vector_load_idx %arg9[%add3A_373, %add3A_378, %and3A_364] : memref<4x64x128xf32, #tpu.memory_space<vmem>>[vector<16xi32>, vector<16xi32>, vector<16xi32>], vector<16xf32>,
      %gather3A_380 = tpu.vector_load_idx %arg10[%add3A_373, %add3A_378, %and3A_370] : memref<4x64x128xf32, #tpu.memory_space<vmem>>[vector<16xi32>, vector<16xi32>, vector<16xi32>], vector<16xf32>,
      %mul3A_381 = arith.mulf %gather3A_379, %gather3A_380 : vector<16xf32>
      %add3A_382 = arith.addf %broadcast_in_dim3A_375, %mul3A_381 : vector<16xf32>
      %add3A_383 = arith.constant 16 : i32
      %add3A_384 = vector.broadcast %add3A_383 : i32 to vector<16xi32>
      %add3A_385 = arith.addi %iota3A, %add3A_384 : vector<16xi32>
      %gather3A_386 = tpu.vector_load_idx %arg9[%add3A_373, %add3A_385, %and3A_364] : memref<4x64x128xf32, #tpu.memory_space<vmem>>[vector<16xi32>, vector<16xi32>, vector<16xi32>], vector<16xf32>,
      %gather3A_387 = tpu.vector_load_idx %arg10[%add3A_373, %add3A_385, %and3A_370] : memref<4x64x128xf32, #tpu.memory_space<vmem>>[vector<16xi32>, vector<16xi32>, vector<16xi32>], vector<16xf32>,
      %mul3A_388 = arith.mulf %gather3A_386, %gather3A_387 : vector<16xf32>
      %add3A_389 = arith.addf %add3A_382, %mul3A_388 : vector<16xf32>
      %add3A_390 = arith.constant 32 : i32
      %add3A_391 = vector.broadcast %add3A_390 : i32 to vector<16xi32>
      %add3A_392 = arith.addi %iota3A, %add3A_391 : vector<16xi32>
      %gather3A_393 = tpu.vector_load_idx %arg9[%add3A_373, %add3A_392, %and3A_364] : memref<4x64x128xf32, #tpu.memory_space<vmem>>[vector<16xi32>, vector<16xi32>, vector<16xi32>], vector<16xf32>,
      %gather3A_394 = tpu.vector_load_idx %arg10[%add3A_373, %add3A_392, %and3A_370] : memref<4x64x128xf32, #tpu.memory_space<vmem>>[vector<16xi32>, vector<16xi32>, vector<16xi32>], vector<16xf32>,
      %mul3A_395 = arith.mulf %gather3A_393, %gather3A_394 : vector<16xf32>
      %add3A_396 = arith.addf %add3A_389, %mul3A_395 : vector<16xf32>
      %add3A_397 = arith.constant 48 : i32
      %add3A_398 = vector.broadcast %add3A_397 : i32 to vector<16xi32>
      %add3A_399 = arith.addi %iota3A, %add3A_398 : vector<16xi32>
      %gather3A_400 = tpu.vector_load_idx %arg9[%add3A_373, %add3A_399, %and3A_364] : memref<4x64x128xf32, #tpu.memory_space<vmem>>[vector<16xi32>, vector<16xi32>, vector<16xi32>], vector<16xf32>,
      %gather3A_401 = tpu.vector_load_idx %arg10[%add3A_373, %add3A_399, %and3A_370] : memref<4x64x128xf32, #tpu.memory_space<vmem>>[vector<16xi32>, vector<16xi32>, vector<16xi32>], vector<16xf32>,
      %mul3A_402 = arith.mulf %gather3A_400, %gather3A_401 : vector<16xf32>
      %add3A_403 = arith.addf %add3A_396, %mul3A_402 : vector<16xf32>
      %swap3A = arith.constant 0 : index
      %swap3A_404 = tpu.vector_load %arg11[%swap3A] {strides = array<i32>} : memref<16xf32, #tpu.memory_space<vmem>>, vector<16xf32>,
      tpu.vector_store %arg11[%swap3A], %add3A_403 {strides = array<i32>} : memref<16xf32, #tpu.memory_space<vmem>>, vector<16xf32>,
      %xor3A = arith.constant 1 : i32
      %xor3A_405 = vector.broadcast %xor3A : i32 to vector<16xi32>
      %xor3A_406 = arith.xori %iota3A, %xor3A_405 : vector<16xi32>
      %gather3A_407 = tpu.vector_load_idx %arg11[%xor3A_406] : memref<16xf32, #tpu.memory_space<vmem>>[vector<16xi32>], vector<16xf32>,
      %add3A_408 = arith.addf %add3A_403, %gather3A_407 : vector<16xf32>
      %swap3A_409 = arith.constant 0 : index
      %swap3A_410 = tpu.vector_load %arg11[%swap3A_409] {strides = array<i32>} : memref<16xf32, #tpu.memory_space<vmem>>, vector<16xf32>,
      tpu.vector_store %arg11[%swap3A_409], %add3A_408 {strides = array<i32>} : memref<16xf32, #tpu.memory_space<vmem>>, vector<16xf32>,
      %xor3A_411 = arith.constant 2 : i32
      %xor3A_412 = vector.broadcast %xor3A_411 : i32 to vector<16xi32>
      %xor3A_413 = arith.xori %iota3A, %xor3A_412 : vector<16xi32>
      %gather3A_414 = tpu.vector_load_idx %arg11[%xor3A_413] : memref<16xf32, #tpu.memory_space<vmem>>[vector<16xi32>], vector<16xf32>,
      %add3A_415 = arith.addf %add3A_408, %gather3A_414 : vector<16xf32>
      %swap3A_416 = arith.constant 0 : index
      %swap3A_417 = tpu.vector_load %arg11[%swap3A_416] {strides = array<i32>} : memref<16xf32, #tpu.memory_space<vmem>>, vector<16xf32>,
      tpu.vector_store %arg11[%swap3A_416], %add3A_415 {strides = array<i32>} : memref<16xf32, #tpu.memory_space<vmem>>, vector<16xf32>,
      %xor3A_418 = arith.constant 4 : i32
      %xor3A_419 = vector.broadcast %xor3A_418 : i32 to vector<16xi32>
      %xor3A_420 = arith.xori %iota3A, %xor3A_419 : vector<16xi32>
      %gather3A_421 = tpu.vector_load_idx %arg11[%xor3A_420] : memref<16xf32, #tpu.memory_space<vmem>>[vector<16xi32>], vector<16xf32>,
      %add3A_422 = arith.addf %add3A_415, %gather3A_421 : vector<16xf32>
      %swap3A_423 = arith.constant 0 : index
      %swap3A_424 = tpu.vector_load %arg11[%swap3A_423] {strides = array<i32>} : memref<16xf32, #tpu.memory_space<vmem>>, vector<16xf32>,
      tpu.vector_store %arg11[%swap3A_423], %add3A_422 {strides = array<i32>} : memref<16xf32, #tpu.memory_space<vmem>>, vector<16xf32>,
      %xor3A_425 = arith.constant 8 : i32
      %xor3A_426 = vector.broadcast %xor3A_425 : i32 to vector<16xi32>
      %xor3A_427 = arith.xori %iota3A, %xor3A_426 : vector<16xi32>
      %gather3A_428 = tpu.vector_load_idx %arg11[%xor3A_427] : memref<16xf32, #tpu.memory_space<vmem>>[vector<16xi32>], vector<16xf32>,
      %add3A_429 = arith.addf %add3A_422, %gather3A_428 : vector<16xf32>
      %add3A_430 = vector.broadcast %add3A_359 : i32 to vector<16xi32>
      %add3A_431 = arith.addi %broadcast_in_dim3A_3, %add3A_430 : vector<16xi32>
      %eq3A = arith.constant 0 : i32
      %eq3A_432 = vector.broadcast %eq3A : i32 to vector<16xi32>
      %eq3A_433 = arith.cmpi eq, %iota3A, %eq3A_432 : vector<16xi32>
      tpu.vector_store_idx %arg12[%add3A_431], %add3A_429 masked %eq3A_433 : memref<512xf32, #tpu.memory_space<vmem>>[vector<16xi32>], vector<16xf32>, vector<16xi1>
      %mul3A_434 = arith.constant 4 : i32
      %mul3A_435 = arith.muli %scan3A_9, %mul3A_434 : i32
      %add3A_436 = arith.constant 1 : i32
      %add3A_437 = arith.addi %mul3A_435, %add3A_436 : i32
      %add3A_438 = vector.broadcast %add3A_437 : i32 to vector<16xi32>
      %add3A_439 = arith.addi %broadcast_in_dim3A_3, %add3A_438 : vector<16xi32>
      %gather3A_440 = tpu.vector_load_idx %arg7[%add3A_439] : memref<512xi32, #tpu.memory_space<vmem>>[vector<16xi32>], vector<16xi32>,
      %and3A_441 = arith.constant 127 : i32
      %and3A_442 = vector.broadcast %and3A_441 : i32 to vector<16xi32>
      %and3A_443 = arith.andi %gather3A_440, %and3A_442 : vector<16xi32>
      %add3A_444 = vector.broadcast %add3A_437 : i32 to vector<16xi32>
      %add3A_445 = arith.addi %broadcast_in_dim3A_3, %add3A_444 : vector<16xi32>
      %gather3A_446 = tpu.vector_load_idx %arg8[%add3A_445] : memref<512xi32, #tpu.memory_space<vmem>>[vector<16xi32>], vector<16xi32>,
      %and3A_447 = arith.constant 127 : i32
      %and3A_448 = vector.broadcast %and3A_447 : i32 to vector<16xi32>
      %and3A_449 = arith.andi %gather3A_446, %and3A_448 : vector<16xi32>
      %add3A_450 = arith.constant 1 : i32
      %add3A_451 = vector.broadcast %add3A_450 : i32 to vector<16xi32>
      %add3A_452 = arith.addi %broadcast_in_dim3A_3, %add3A_451 : vector<16xi32>
      %broadcast_in_dim3A_453 = arith.constant 0.000000e+00 : f32
      %broadcast_in_dim3A_454 = vector.broadcast %broadcast_in_dim3A_453 : f32 to vector<16xf32>
      %add3A_455 = arith.constant 0 : i32
      %add3A_456 = vector.broadcast %add3A_455 : i32 to vector<16xi32>
      %add3A_457 = arith.addi %iota3A, %add3A_456 : vector<16xi32>
      %gather3A_458 = tpu.vector_load_idx %arg9[%add3A_452, %add3A_457, %and3A_443] : memref<4x64x128xf32, #tpu.memory_space<vmem>>[vector<16xi32>, vector<16xi32>, vector<16xi32>], vector<16xf32>,
      %gather3A_459 = tpu.vector_load_idx %arg10[%add3A_452, %add3A_457, %and3A_449] : memref<4x64x128xf32, #tpu.memory_space<vmem>>[vector<16xi32>, vector<16xi32>, vector<16xi32>], vector<16xf32>,
      %mul3A_460 = arith.mulf %gather3A_458, %gather3A_459 : vector<16xf32>
      %add3A_461 = arith.addf %broadcast_in_dim3A_454, %mul3A_460 : vector<16xf32>
      %add3A_462 = arith.constant 16 : i32
      %add3A_463 = vector.broadcast %add3A_462 : i32 to vector<16xi32>
      %add3A_464 = arith.addi %iota3A, %add3A_463 : vector<16xi32>
      %gather3A_465 = tpu.vector_load_idx %arg9[%add3A_452, %add3A_464, %and3A_443] : memref<4x64x128xf32, #tpu.memory_space<vmem>>[vector<16xi32>, vector<16xi32>, vector<16xi32>], vector<16xf32>,
      %gather3A_466 = tpu.vector_load_idx %arg10[%add3A_452, %add3A_464, %and3A_449] : memref<4x64x128xf32, #tpu.memory_space<vmem>>[vector<16xi32>, vector<16xi32>, vector<16xi32>], vector<16xf32>,
      %mul3A_467 = arith.mulf %gather3A_465, %gather3A_466 : vector<16xf32>
      %add3A_468 = arith.addf %add3A_461, %mul3A_467 : vector<16xf32>
      %add3A_469 = arith.constant 32 : i32
      %add3A_470 = vector.broadcast %add3A_469 : i32 to vector<16xi32>
      %add3A_471 = arith.addi %iota3A, %add3A_470 : vector<16xi32>
      %gather3A_472 = tpu.vector_load_idx %arg9[%add3A_452, %add3A_471, %and3A_443] : memref<4x64x128xf32, #tpu.memory_space<vmem>>[vector<16xi32>, vector<16xi32>, vector<16xi32>], vector<16xf32>,
      %gather3A_473 = tpu.vector_load_idx %arg10[%add3A_452, %add3A_471, %and3A_449] : memref<4x64x128xf32, #tpu.memory_space<vmem>>[vector<16xi32>, vector<16xi32>, vector<16xi32>], vector<16xf32>,
      %mul3A_474 = arith.mulf %gather3A_472, %gather3A_473 : vector<16xf32>
      %add3A_475 = arith.addf %add3A_468, %mul3A_474 : vector<16xf32>
      %add3A_476 = arith.constant 48 : i32
      %add3A_477 = vector.broadcast %add3A_476 : i32 to vector<16xi32>
      %add3A_478 = arith.addi %iota3A, %add3A_477 : vector<16xi32>
      %gather3A_479 = tpu.vector_load_idx %arg9[%add3A_452, %add3A_478, %and3A_443] : memref<4x64x128xf32, #tpu.memory_space<vmem>>[vector<16xi32>, vector<16xi32>, vector<16xi32>], vector<16xf32>,
      %gather3A_480 = tpu.vector_load_idx %arg10[%add3A_452, %add3A_478, %and3A_449] : memref<4x64x128xf32, #tpu.memory_space<vmem>>[vector<16xi32>, vector<16xi32>, vector<16xi32>], vector<16xf32>,
      %mul3A_481 = arith.mulf %gather3A_479, %gather3A_480 : vector<16xf32>
      %add3A_482 = arith.addf %add3A_475, %mul3A_481 : vector<16xf32>
      %swap3A_483 = arith.constant 0 : index
      %swap3A_484 = tpu.vector_load %arg11[%swap3A_483] {strides = array<i32>} : memref<16xf32, #tpu.memory_space<vmem>>, vector<16xf32>,
      tpu.vector_store %arg11[%swap3A_483], %add3A_482 {strides = array<i32>} : memref<16xf32, #tpu.memory_space<vmem>>, vector<16xf32>,
      %xor3A_485 = arith.constant 1 : i32
      %xor3A_486 = vector.broadcast %xor3A_485 : i32 to vector<16xi32>
      %xor3A_487 = arith.xori %iota3A, %xor3A_486 : vector<16xi32>
      %gather3A_488 = tpu.vector_load_idx %arg11[%xor3A_487] : memref<16xf32, #tpu.memory_space<vmem>>[vector<16xi32>], vector<16xf32>,
      %add3A_489 = arith.addf %add3A_482, %gather3A_488 : vector<16xf32>
      %swap3A_490 = arith.constant 0 : index
      %swap3A_491 = tpu.vector_load %arg11[%swap3A_490] {strides = array<i32>} : memref<16xf32, #tpu.memory_space<vmem>>, vector<16xf32>,
      tpu.vector_store %arg11[%swap3A_490], %add3A_489 {strides = array<i32>} : memref<16xf32, #tpu.memory_space<vmem>>, vector<16xf32>,
      %xor3A_492 = arith.constant 2 : i32
      %xor3A_493 = vector.broadcast %xor3A_492 : i32 to vector<16xi32>
      %xor3A_494 = arith.xori %iota3A, %xor3A_493 : vector<16xi32>
      %gather3A_495 = tpu.vector_load_idx %arg11[%xor3A_494] : memref<16xf32, #tpu.memory_space<vmem>>[vector<16xi32>], vector<16xf32>,
      %add3A_496 = arith.addf %add3A_489, %gather3A_495 : vector<16xf32>
      %swap3A_497 = arith.constant 0 : index
      %swap3A_498 = tpu.vector_load %arg11[%swap3A_497] {strides = array<i32>} : memref<16xf32, #tpu.memory_space<vmem>>, vector<16xf32>,
      tpu.vector_store %arg11[%swap3A_497], %add3A_496 {strides = array<i32>} : memref<16xf32, #tpu.memory_space<vmem>>, vector<16xf32>,
      %xor3A_499 = arith.constant 4 : i32
      %xor3A_500 = vector.broadcast %xor3A_499 : i32 to vector<16xi32>
      %xor3A_501 = arith.xori %iota3A, %xor3A_500 : vector<16xi32>
      %gather3A_502 = tpu.vector_load_idx %arg11[%xor3A_501] : memref<16xf32, #tpu.memory_space<vmem>>[vector<16xi32>], vector<16xf32>,
      %add3A_503 = arith.addf %add3A_496, %gather3A_502 : vector<16xf32>
      %swap3A_504 = arith.constant 0 : index
      %swap3A_505 = tpu.vector_load %arg11[%swap3A_504] {strides = array<i32>} : memref<16xf32, #tpu.memory_space<vmem>>, vector<16xf32>,
      tpu.vector_store %arg11[%swap3A_504], %add3A_503 {strides = array<i32>} : memref<16xf32, #tpu.memory_space<vmem>>, vector<16xf32>,
      %xor3A_506 = arith.constant 8 : i32
      %xor3A_507 = vector.broadcast %xor3A_506 : i32 to vector<16xi32>
      %xor3A_508 = arith.xori %iota3A, %xor3A_507 : vector<16xi32>
      %gather3A_509 = tpu.vector_load_idx %arg11[%xor3A_508] : memref<16xf32, #tpu.memory_space<vmem>>[vector<16xi32>], vector<16xf32>,
      %add3A_510 = arith.addf %add3A_503, %gather3A_509 : vector<16xf32>
      %add3A_511 = vector.broadcast %add3A_437 : i32 to vector<16xi32>
      %add3A_512 = arith.addi %broadcast_in_dim3A_3, %add3A_511 : vector<16xi32>
      %eq3A_513 = arith.constant 0 : i32
      %eq3A_514 = vector.broadcast %eq3A_513 : i32 to vector<16xi32>
      %eq3A_515 = arith.cmpi eq, %iota3A, %eq3A_514 : vector<16xi32>
      tpu.vector_store_idx %arg12[%add3A_512], %add3A_510 masked %eq3A_515 : memref<512xf32, #tpu.memory_space<vmem>>[vector<16xi32>], vector<16xf32>, vector<16xi1>
      %mul3A_516 = arith.constant 4 : i32
      %mul3A_517 = arith.muli %scan3A_9, %mul3A_516 : i32
      %add3A_518 = arith.constant 2 : i32
      %add3A_519 = arith.addi %mul3A_517, %add3A_518 : i32
      %add3A_520 = vector.broadcast %add3A_519 : i32 to vector<16xi32>
      %add3A_521 = arith.addi %broadcast_in_dim3A_3, %add3A_520 : vector<16xi32>
      %gather3A_522 = tpu.vector_load_idx %arg7[%add3A_521] : memref<512xi32, #tpu.memory_space<vmem>>[vector<16xi32>], vector<16xi32>,
      %and3A_523 = arith.constant 127 : i32
      %and3A_524 = vector.broadcast %and3A_523 : i32 to vector<16xi32>
      %and3A_525 = arith.andi %gather3A_522, %and3A_524 : vector<16xi32>
      %add3A_526 = vector.broadcast %add3A_519 : i32 to vector<16xi32>
      %add3A_527 = arith.addi %broadcast_in_dim3A_3, %add3A_526 : vector<16xi32>
      %gather3A_528 = tpu.vector_load_idx %arg8[%add3A_527] : memref<512xi32, #tpu.memory_space<vmem>>[vector<16xi32>], vector<16xi32>,
      %and3A_529 = arith.constant 127 : i32
      %and3A_530 = vector.broadcast %and3A_529 : i32 to vector<16xi32>
      %and3A_531 = arith.andi %gather3A_528, %and3A_530 : vector<16xi32>
      %add3A_532 = arith.constant 2 : i32
      %add3A_533 = vector.broadcast %add3A_532 : i32 to vector<16xi32>
      %add3A_534 = arith.addi %broadcast_in_dim3A_3, %add3A_533 : vector<16xi32>
      %broadcast_in_dim3A_535 = arith.constant 0.000000e+00 : f32
      %broadcast_in_dim3A_536 = vector.broadcast %broadcast_in_dim3A_535 : f32 to vector<16xf32>
      %add3A_537 = arith.constant 0 : i32
      %add3A_538 = vector.broadcast %add3A_537 : i32 to vector<16xi32>
      %add3A_539 = arith.addi %iota3A, %add3A_538 : vector<16xi32>
      %gather3A_540 = tpu.vector_load_idx %arg9[%add3A_534, %add3A_539, %and3A_525] : memref<4x64x128xf32, #tpu.memory_space<vmem>>[vector<16xi32>, vector<16xi32>, vector<16xi32>], vector<16xf32>,
      %gather3A_541 = tpu.vector_load_idx %arg10[%add3A_534, %add3A_539, %and3A_531] : memref<4x64x128xf32, #tpu.memory_space<vmem>>[vector<16xi32>, vector<16xi32>, vector<16xi32>], vector<16xf32>,
      %mul3A_542 = arith.mulf %gather3A_540, %gather3A_541 : vector<16xf32>
      %add3A_543 = arith.addf %broadcast_in_dim3A_536, %mul3A_542 : vector<16xf32>
      %add3A_544 = arith.constant 16 : i32
      %add3A_545 = vector.broadcast %add3A_544 : i32 to vector<16xi32>
      %add3A_546 = arith.addi %iota3A, %add3A_545 : vector<16xi32>
      %gather3A_547 = tpu.vector_load_idx %arg9[%add3A_534, %add3A_546, %and3A_525] : memref<4x64x128xf32, #tpu.memory_space<vmem>>[vector<16xi32>, vector<16xi32>, vector<16xi32>], vector<16xf32>,
      %gather3A_548 = tpu.vector_load_idx %arg10[%add3A_534, %add3A_546, %and3A_531] : memref<4x64x128xf32, #tpu.memory_space<vmem>>[vector<16xi32>, vector<16xi32>, vector<16xi32>], vector<16xf32>,
      %mul3A_549 = arith.mulf %gather3A_547, %gather3A_548 : vector<16xf32>
      %add3A_550 = arith.addf %add3A_543, %mul3A_549 : vector<16xf32>
      %add3A_551 = arith.constant 32 : i32
      %add3A_552 = vector.broadcast %add3A_551 : i32 to vector<16xi32>
      %add3A_553 = arith.addi %iota3A, %add3A_552 : vector<16xi32>
      %gather3A_554 = tpu.vector_load_idx %arg9[%add3A_534, %add3A_553, %and3A_525] : memref<4x64x128xf32, #tpu.memory_space<vmem>>[vector<16xi32>, vector<16xi32>, vector<16xi32>], vector<16xf32>,
      %gather3A_555 = tpu.vector_load_idx %arg10[%add3A_534, %add3A_553, %and3A_531] : memref<4x64x128xf32, #tpu.memory_space<vmem>>[vector<16xi32>, vector<16xi32>, vector<16xi32>], vector<16xf32>,
      %mul3A_556 = arith.mulf %gather3A_554, %gather3A_555 : vector<16xf32>
      %add3A_557 = arith.addf %add3A_550, %mul3A_556 : vector<16xf32>
      %add3A_558 = arith.constant 48 : i32
      %add3A_559 = vector.broadcast %add3A_558 : i32 to vector<16xi32>
      %add3A_560 = arith.addi %iota3A, %add3A_559 : vector<16xi32>
      %gather3A_561 = tpu.vector_load_idx %arg9[%add3A_534, %add3A_560, %and3A_525] : memref<4x64x128xf32, #tpu.memory_space<vmem>>[vector<16xi32>, vector<16xi32>, vector<16xi32>], vector<16xf32>,
      %gather3A_562 = tpu.vector_load_idx %arg10[%add3A_534, %add3A_560, %and3A_531] : memref<4x64x128xf32, #tpu.memory_space<vmem>>[vector<16xi32>, vector<16xi32>, vector<16xi32>], vector<16xf32>,
      %mul3A_563 = arith.mulf %gather3A_561, %gather3A_562 : vector<16xf32>
      %add3A_564 = arith.addf %add3A_557, %mul3A_563 : vector<16xf32>
      %swap3A_565 = arith.constant 0 : index
      %swap3A_566 = tpu.vector_load %arg11[%swap3A_565] {strides = array<i32>} : memref<16xf32, #tpu.memory_space<vmem>>, vector<16xf32>,
      tpu.vector_store %arg11[%swap3A_565], %add3A_564 {strides = array<i32>} : memref<16xf32, #tpu.memory_space<vmem>>, vector<16xf32>,
      %xor3A_567 = arith.constant 1 : i32
      %xor3A_568 = vector.broadcast %xor3A_567 : i32 to vector<16xi32>
      %xor3A_569 = arith.xori %iota3A, %xor3A_568 : vector<16xi32>
      %gather3A_570 = tpu.vector_load_idx %arg11[%xor3A_569] : memref<16xf32, #tpu.memory_space<vmem>>[vector<16xi32>], vector<16xf32>,
      %add3A_571 = arith.addf %add3A_564, %gather3A_570 : vector<16xf32>
      %swap3A_572 = arith.constant 0 : index
      %swap3A_573 = tpu.vector_load %arg11[%swap3A_572] {strides = array<i32>} : memref<16xf32, #tpu.memory_space<vmem>>, vector<16xf32>,
      tpu.vector_store %arg11[%swap3A_572], %add3A_571 {strides = array<i32>} : memref<16xf32, #tpu.memory_space<vmem>>, vector<16xf32>,
      %xor3A_574 = arith.constant 2 : i32
      %xor3A_575 = vector.broadcast %xor3A_574 : i32 to vector<16xi32>
      %xor3A_576 = arith.xori %iota3A, %xor3A_575 : vector<16xi32>
      %gather3A_577 = tpu.vector_load_idx %arg11[%xor3A_576] : memref<16xf32, #tpu.memory_space<vmem>>[vector<16xi32>], vector<16xf32>,
      %add3A_578 = arith.addf %add3A_571, %gather3A_577 : vector<16xf32>
      %swap3A_579 = arith.constant 0 : index
      %swap3A_580 = tpu.vector_load %arg11[%swap3A_579] {strides = array<i32>} : memref<16xf32, #tpu.memory_space<vmem>>, vector<16xf32>,
      tpu.vector_store %arg11[%swap3A_579], %add3A_578 {strides = array<i32>} : memref<16xf32, #tpu.memory_space<vmem>>, vector<16xf32>,
      %xor3A_581 = arith.constant 4 : i32
      %xor3A_582 = vector.broadcast %xor3A_581 : i32 to vector<16xi32>
      %xor3A_583 = arith.xori %iota3A, %xor3A_582 : vector<16xi32>
      %gather3A_584 = tpu.vector_load_idx %arg11[%xor3A_583] : memref<16xf32, #tpu.memory_space<vmem>>[vector<16xi32>], vector<16xf32>,
      %add3A_585 = arith.addf %add3A_578, %gather3A_584 : vector<16xf32>
      %swap3A_586 = arith.constant 0 : index
      %swap3A_587 = tpu.vector_load %arg11[%swap3A_586] {strides = array<i32>} : memref<16xf32, #tpu.memory_space<vmem>>, vector<16xf32>,
      tpu.vector_store %arg11[%swap3A_586], %add3A_585 {strides = array<i32>} : memref<16xf32, #tpu.memory_space<vmem>>, vector<16xf32>,
      %xor3A_588 = arith.constant 8 : i32
      %xor3A_589 = vector.broadcast %xor3A_588 : i32 to vector<16xi32>
      %xor3A_590 = arith.xori %iota3A, %xor3A_589 : vector<16xi32>
      %gather3A_591 = tpu.vector_load_idx %arg11[%xor3A_590] : memref<16xf32, #tpu.memory_space<vmem>>[vector<16xi32>], vector<16xf32>,
      %add3A_592 = arith.addf %add3A_585, %gather3A_591 : vector<16xf32>
      %add3A_593 = vector.broadcast %add3A_519 : i32 to vector<16xi32>
      %add3A_594 = arith.addi %broadcast_in_dim3A_3, %add3A_593 : vector<16xi32>
      %eq3A_595 = arith.constant 0 : i32
      %eq3A_596 = vector.broadcast %eq3A_595 : i32 to vector<16xi32>
      %eq3A_597 = arith.cmpi eq, %iota3A, %eq3A_596 : vector<16xi32>
      tpu.vector_store_idx %arg12[%add3A_594], %add3A_592 masked %eq3A_597 : memref<512xf32, #tpu.memory_space<vmem>>[vector<16xi32>], vector<16xf32>, vector<16xi1>
      %mul3A_598 = arith.constant 4 : i32
      %mul3A_599 = arith.muli %scan3A_9, %mul3A_598 : i32
      %add3A_600 = arith.constant 3 : i32
      %add3A_601 = arith.addi %mul3A_599, %add3A_600 : i32
      %add3A_602 = vector.broadcast %add3A_601 : i32 to vector<16xi32>
      %add3A_603 = arith.addi %broadcast_in_dim3A_3, %add3A_602 : vector<16xi32>
      %gather3A_604 = tpu.vector_load_idx %arg7[%add3A_603] : memref<512xi32, #tpu.memory_space<vmem>>[vector<16xi32>], vector<16xi32>,
      %and3A_605 = arith.constant 127 : i32
      %and3A_606 = vector.broadcast %and3A_605 : i32 to vector<16xi32>
      %and3A_607 = arith.andi %gather3A_604, %and3A_606 : vector<16xi32>
      %add3A_608 = vector.broadcast %add3A_601 : i32 to vector<16xi32>
      %add3A_609 = arith.addi %broadcast_in_dim3A_3, %add3A_608 : vector<16xi32>
      %gather3A_610 = tpu.vector_load_idx %arg8[%add3A_609] : memref<512xi32, #tpu.memory_space<vmem>>[vector<16xi32>], vector<16xi32>,
      %and3A_611 = arith.constant 127 : i32
      %and3A_612 = vector.broadcast %and3A_611 : i32 to vector<16xi32>
      %and3A_613 = arith.andi %gather3A_610, %and3A_612 : vector<16xi32>
      %add3A_614 = arith.constant 3 : i32
      %add3A_615 = vector.broadcast %add3A_614 : i32 to vector<16xi32>
      %add3A_616 = arith.addi %broadcast_in_dim3A_3, %add3A_615 : vector<16xi32>
      %broadcast_in_dim3A_617 = arith.constant 0.000000e+00 : f32
      %broadcast_in_dim3A_618 = vector.broadcast %broadcast_in_dim3A_617 : f32 to vector<16xf32>
      %add3A_619 = arith.constant 0 : i32
      %add3A_620 = vector.broadcast %add3A_619 : i32 to vector<16xi32>
      %add3A_621 = arith.addi %iota3A, %add3A_620 : vector<16xi32>
      %gather3A_622 = tpu.vector_load_idx %arg9[%add3A_616, %add3A_621, %and3A_607] : memref<4x64x128xf32, #tpu.memory_space<vmem>>[vector<16xi32>, vector<16xi32>, vector<16xi32>], vector<16xf32>,
      %gather3A_623 = tpu.vector_load_idx %arg10[%add3A_616, %add3A_621, %and3A_613] : memref<4x64x128xf32, #tpu.memory_space<vmem>>[vector<16xi32>, vector<16xi32>, vector<16xi32>], vector<16xf32>,
      %mul3A_624 = arith.mulf %gather3A_622, %gather3A_623 : vector<16xf32>
      %add3A_625 = arith.addf %broadcast_in_dim3A_618, %mul3A_624 : vector<16xf32>
      %add3A_626 = arith.constant 16 : i32
      %add3A_627 = vector.broadcast %add3A_626 : i32 to vector<16xi32>
      %add3A_628 = arith.addi %iota3A, %add3A_627 : vector<16xi32>
      %gather3A_629 = tpu.vector_load_idx %arg9[%add3A_616, %add3A_628, %and3A_607] : memref<4x64x128xf32, #tpu.memory_space<vmem>>[vector<16xi32>, vector<16xi32>, vector<16xi32>], vector<16xf32>,
      %gather3A_630 = tpu.vector_load_idx %arg10[%add3A_616, %add3A_628, %and3A_613] : memref<4x64x128xf32, #tpu.memory_space<vmem>>[vector<16xi32>, vector<16xi32>, vector<16xi32>], vector<16xf32>,
      %mul3A_631 = arith.mulf %gather3A_629, %gather3A_630 : vector<16xf32>
      %add3A_632 = arith.addf %add3A_625, %mul3A_631 : vector<16xf32>
      %add3A_633 = arith.constant 32 : i32
      %add3A_634 = vector.broadcast %add3A_633 : i32 to vector<16xi32>
      %add3A_635 = arith.addi %iota3A, %add3A_634 : vector<16xi32>
      %gather3A_636 = tpu.vector_load_idx %arg9[%add3A_616, %add3A_635, %and3A_607] : memref<4x64x128xf32, #tpu.memory_space<vmem>>[vector<16xi32>, vector<16xi32>, vector<16xi32>], vector<16xf32>,
      %gather3A_637 = tpu.vector_load_idx %arg10[%add3A_616, %add3A_635, %and3A_613] : memref<4x64x128xf32, #tpu.memory_space<vmem>>[vector<16xi32>, vector<16xi32>, vector<16xi32>], vector<16xf32>,
      %mul3A_638 = arith.mulf %gather3A_636, %gather3A_637 : vector<16xf32>
      %add3A_639 = arith.addf %add3A_632, %mul3A_638 : vector<16xf32>
      %add3A_640 = arith.constant 48 : i32
      %add3A_641 = vector.broadcast %add3A_640 : i32 to vector<16xi32>
      %add3A_642 = arith.addi %iota3A, %add3A_641 : vector<16xi32>
      %gather3A_643 = tpu.vector_load_idx %arg9[%add3A_616, %add3A_642, %and3A_607] : memref<4x64x128xf32, #tpu.memory_space<vmem>>[vector<16xi32>, vector<16xi32>, vector<16xi32>], vector<16xf32>,
      %gather3A_644 = tpu.vector_load_idx %arg10[%add3A_616, %add3A_642, %and3A_613] : memref<4x64x128xf32, #tpu.memory_space<vmem>>[vector<16xi32>, vector<16xi32>, vector<16xi32>], vector<16xf32>,
      %mul3A_645 = arith.mulf %gather3A_643, %gather3A_644 : vector<16xf32>
      %add3A_646 = arith.addf %add3A_639, %mul3A_645 : vector<16xf32>
      %swap3A_647 = arith.constant 0 : index
      %swap3A_648 = tpu.vector_load %arg11[%swap3A_647] {strides = array<i32>} : memref<16xf32, #tpu.memory_space<vmem>>, vector<16xf32>,
      tpu.vector_store %arg11[%swap3A_647], %add3A_646 {strides = array<i32>} : memref<16xf32, #tpu.memory_space<vmem>>, vector<16xf32>,
      %xor3A_649 = arith.constant 1 : i32
      %xor3A_650 = vector.broadcast %xor3A_649 : i32 to vector<16xi32>
      %xor3A_651 = arith.xori %iota3A, %xor3A_650 : vector<16xi32>
      %gather3A_652 = tpu.vector_load_idx %arg11[%xor3A_651] : memref<16xf32, #tpu.memory_space<vmem>>[vector<16xi32>], vector<16xf32>,
      %add3A_653 = arith.addf %add3A_646, %gather3A_652 : vector<16xf32>
      %swap3A_654 = arith.constant 0 : index
      %swap3A_655 = tpu.vector_load %arg11[%swap3A_654] {strides = array<i32>} : memref<16xf32, #tpu.memory_space<vmem>>, vector<16xf32>,
      tpu.vector_store %arg11[%swap3A_654], %add3A_653 {strides = array<i32>} : memref<16xf32, #tpu.memory_space<vmem>>, vector<16xf32>,
      %xor3A_656 = arith.constant 2 : i32
      %xor3A_657 = vector.broadcast %xor3A_656 : i32 to vector<16xi32>
      %xor3A_658 = arith.xori %iota3A, %xor3A_657 : vector<16xi32>
      %gather3A_659 = tpu.vector_load_idx %arg11[%xor3A_658] : memref<16xf32, #tpu.memory_space<vmem>>[vector<16xi32>], vector<16xf32>,
      %add3A_660 = arith.addf %add3A_653, %gather3A_659 : vector<16xf32>
      %swap3A_661 = arith.constant 0 : index
      %swap3A_662 = tpu.vector_load %arg11[%swap3A_661] {strides = array<i32>} : memref<16xf32, #tpu.memory_space<vmem>>, vector<16xf32>,
      tpu.vector_store %arg11[%swap3A_661], %add3A_660 {strides = array<i32>} : memref<16xf32, #tpu.memory_space<vmem>>, vector<16xf32>,
      %xor3A_663 = arith.constant 4 : i32
      %xor3A_664 = vector.broadcast %xor3A_663 : i32 to vector<16xi32>
      %xor3A_665 = arith.xori %iota3A, %xor3A_664 : vector<16xi32>
      %gather3A_666 = tpu.vector_load_idx %arg11[%xor3A_665] : memref<16xf32, #tpu.memory_space<vmem>>[vector<16xi32>], vector<16xf32>,
      %add3A_667 = arith.addf %add3A_660, %gather3A_666 : vector<16xf32>
      %swap3A_668 = arith.constant 0 : index
      %swap3A_669 = tpu.vector_load %arg11[%swap3A_668] {strides = array<i32>} : memref<16xf32, #tpu.memory_space<vmem>>, vector<16xf32>,
      tpu.vector_store %arg11[%swap3A_668], %add3A_667 {strides = array<i32>} : memref<16xf32, #tpu.memory_space<vmem>>, vector<16xf32>,
      %xor3A_670 = arith.constant 8 : i32
      %xor3A_671 = vector.broadcast %xor3A_670 : i32 to vector<16xi32>
      %xor3A_672 = arith.xori %iota3A, %xor3A_671 : vector<16xi32>
      %gather3A_673 = tpu.vector_load_idx %arg11[%xor3A_672] : memref<16xf32, #tpu.memory_space<vmem>>[vector<16xi32>], vector<16xf32>,
      %add3A_674 = arith.addf %add3A_667, %gather3A_673 : vector<16xf32>
      %add3A_675 = vector.broadcast %add3A_601 : i32 to vector<16xi32>
      %add3A_676 = arith.addi %broadcast_in_dim3A_3, %add3A_675 : vector<16xi32>
      %eq3A_677 = arith.constant 0 : i32
      %eq3A_678 = vector.broadcast %eq3A_677 : i32 to vector<16xi32>
      %eq3A_679 = arith.cmpi eq, %iota3A, %eq3A_678 : vector<16xi32>
      tpu.vector_store_idx %arg12[%add3A_676], %add3A_674 masked %eq3A_679 : memref<512xf32, #tpu.memory_space<vmem>>[vector<16xi32>], vector<16xf32>, vector<16xi1>
    }
    %scan3A_8 = arith.constant 128 : i32
    "tpu.region"() ({
      %run_scoped3A = tpu.sem_alloc : memref<!tpu.dma_semaphore, #tpu.memory_space<semaphore_mem>>
      %dma_start3A = tpu.memref_slice %arg6[%mul3A_2] : memref<16384xf32, #tpu.memory_space<hbm>> -> memref<512xf32, #tpu.memory_space<hbm>>
      %dma_start3A_9 = tpu.memref_slice %arg6[%mul3A_2] : memref<16384xf32, #tpu.memory_space<hbm>> -> memref<512xf32, #tpu.memory_space<hbm>>
      tpu.enqueue_dma source(%arg12 : memref<512xf32, #tpu.memory_space<vmem>>) target(%dma_start3A_9 : memref<512xf32, #tpu.memory_space<hbm>>) target_semaphore(%run_scoped3A : memref<!tpu.dma_semaphore, #tpu.memory_space<semaphore_mem>>)
      %dma_wait3A = tpu.memref_slice %arg6[%mul3A_2] : memref<16384xf32, #tpu.memory_space<hbm>> -> memref<512xf32, #tpu.memory_space<hbm>>
      %dma_wait3A_10 = tpu.memref_slice %arg6[%mul3A_2] : memref<16384xf32, #tpu.memory_space<hbm>> -> memref<512xf32, #tpu.memory_space<hbm>>
      tpu.wait_dma2 semaphore(%run_scoped3A : memref<!tpu.dma_semaphore, #tpu.memory_space<semaphore_mem>>) src(%arg12 : memref<512xf32, #tpu.memory_space<vmem>>) dst(%dma_wait3A_10 : memref<512xf32, #tpu.memory_space<hbm>>)
      tpu.yield
    }) : () -> ()
    return
  }
}

</mosaic_0001>

<sc_bundles>
// kernel: _cf_forward.3.cloned.1.call-start
scs
__scs_entry_jumppad:
0x0: {  	(pc) =	sbr.rel $0x88, $3  }
0x1: {  	(tag) =	ssettag $0x0;
	lr =	simm.s32 $0x1  }
0x2: {  	[smem:$0x3F9D] =	sst lr;
	_ =	strace $0xD0000000  }
0x3: {  	_ = 	snop  }
0x4: {  	_ = 	snop  }
0x5: {  	_ = 	snop  }
0x6: {  	_ = 	snop  }
0x7: {  	_ = 	snop  }
__scs_overlays_trampoline_lowered:
0x8: {  	[smem:$0x3FAC] =	sst s0  }
0x9: {  	[smem:$0x3FAD] =	sst s1  }
0xa: {  	[smem:$0x3FAE] =	sst s2  }
0xb: {  	[smem:$0x3FAF] =	sst s3  }
0xc: {  	[smem:$0x3FB0] =	sst s4  }
0xd: {  	[smem:$0x3FB1] =	sst s5  }
0xe: {  	[smem:$0x3FB2] =	sst s6  }
0xf: {  	[smem:$0x3FB3] =	sst s7  }
0x10: {  	[smem:$0x3FB4] =	sst s8  }
0x11: {  	[smem:$0x3FB5] =	sst s9;
	s0 =	simm.s32 @!p0 $0x0  }
0x12: {  	s1 =	sld [smem:$0x3F9B];
	s0 =	simm.s32 @p0 $0x1  }
0x13: {  	[smem:$0x3FB6] =	sst s0;
	s0 =	simm.s32 @!p1 $0x0  }
0x14: {  	s2 =	sld [smem:$0x3F9A];
	s0 =	simm.s32 @p1 $0x1  }
0x15: {  	[smem:$0x3FB7] =	sst s0;
	s0 =	simm.s32 @!p2 $0x0  }
0x16: {  	s3 =	sld [smem:$0x3FDB];
	s0 =	simm.s32 @p2 $0x1  }
0x17: {  	s4 =	simm.s32 $0x1BF5;
	[smem:$0x3FB9] =	sst s0  }
0x18: {  	s0 =	sld [smem:$0x3F9C];
	_ =	swait.ge [sflag:s4], $0x0  }
0x19: {  	s7 =	sld [smem:$0x3F9D]  }
0x1a: {  	s8 =	sadd.s32 $0xFFFFE003, lr  }
0x1b: {  	s9 =	sadd.s32 $0xFFFFFEF7, lr;
	s5 =	simm.s32 $0xFFFFFFFF;
	p2 =	slt.u32 s8, $0xFFFFF086  }
0x1c: {  	p1 =	slt.u32 s9, $0xF7A;
	s5 =	simm.s32 @!p2 $0x0  }
0x1d: {  	s5 =	simm.s32 @p1 $0x1;
	p0 =	seq.s32 s7, s2  }
0x1e: {  	s7 =	smul.u32 @!p0 $0xF7A, s2;
	p2 =	seq.s32 @!p0 s5, $0x0  }
0x1f: {  	s9 =	smul.u32 $0xF7A, s1;
	s8 =	simm.s32 @!p0 $0x1BF5;
	p2 =	por !p2, p0  }
0x20: {  	[sflag:s8] =	ssyncset.s32 @!p0 $0xFFFFF086;
	s6 =	sadd.s32 @!p0 s3, s7;
	s7 =	simm.s32 @!p0 $0x108  }
0x21: {  	s3 =	sadd.s32 s3, s9;
	s6 =	sadd.s32 @!p0 $0x88, s6;
	s7 =	simm.s32 @p2 $0x1082  }
0x22: {  	[simem:s7], [sflag:s8] =	dma.local @!p0 [hbm:s6], $0xF7A  }
0x23: {  	s9 =	sor.u32 $0xD0000000, s2;
	s6 =	simm.s32 $0x108;
	_ =	swait.ge @!p0 [sflag:s8], $0x0  }
0x24: {  	s3 =	sadd.s32 $0x88, s3;
	s6 =	simm.s32 @!p1 $0x1082;
	[sflag:s4] =	ssyncset.s32 $0xFFFFF086  }
0x25: {  	[simem:s6], [sflag:s4] =	dma.local [hbm:s3], $0xF7A  }
0x26: {  	[smem:$0x3F9D] =	sst s1;
	(tag) =	ssettag s2;
	_ =	strace s9  }
0x27: {  	s1 =	sld [smem:$0x3FAD]  }
0x28: {  	s2 =	sld [smem:$0x3FAE]  }
0x29: {  	s4 =	sld [smem:$0x3FB0]  }
0x2a: {  	p0 =	seq.s32 s5, $0x0;
	s5 =	sld [smem:$0x3FB1]  }
0x2b: {  	s6 =	sld [smem:$0x3FB2]  }
0x2c: {  	s7 =	sld [smem:$0x3FB3]  }
0x2d: {  	s3 =	simm.s32 $0x108;
	s8 =	sld [smem:$0x3FB4]  }
0x2e: {  	s3 =	simm.s32 @!p0 $0x1082;
	s9 =	sld [smem:$0x3FB5]  }
0x2f: {  	lr =	sadd.s32 s0, s3;
	s0 =	sld [smem:$0x3FAC]  }
0x30: {  	s3 =	sld [smem:$0x3FAF]  }
0x31: {  	[smem:$0x3FB8] =	sst s10  }
0x32: {  	s10 =	sld [smem:$0x3FB6];
	_ =	sdelay $0x3  }
0x33: {  	p0 =	seq.s32 s10, $0x1;
	s10 =	sld [smem:$0x3FB8];
	_ =	sdelay $0x3  }
0x34: {  	[smem:$0x3FB8] =	sst s10  }
0x35: {  	s10 =	sld [smem:$0x3FB7];
	_ =	sdelay $0x3  }
0x36: {  	p1 =	seq.s32 s10, $0x1;
	s10 =	sld [smem:$0x3FB8];
	_ =	sdelay $0x3  }
0x37: {  	[smem:$0x3FB8] =	sst s10  }
0x38: {  	s10 =	sld [smem:$0x3FB9]  }
0x39: {  	_ = 	snop;
	(pc) =	sbr.ind lr, $3  }
0x3a: {  	_ = 	snop  }
0x3b: {  	_ = 	snop  }
0x3c: {  	p2 =	seq.s32 s10, $0x1;
	s10 =	sld [smem:$0x3FB8]  }
0x3d: {  	_ =	shalt  }
0x3e: {  	_ =	shalt  }
0x3f: {  	_ =	shalt  }
0x40: {  	_ =	shalt  }
0x41: {  	_ =	shalt  }
0x42: {  	_ =	shalt  }
0x43: {  	_ =	shalt  }
0x44: {  	_ =	shalt  }
0x45: {  	_ =	shalt  }
0x46: {  	_ =	shalt  }
0x47: {  	_ =	shalt  }
0x48: {  	_ =	shalt  }
0x49: {  	_ =	shalt  }
0x4a: {  	_ =	shalt  }
0x4b: {  	_ =	shalt  }
0x4c: {  	_ =	shalt  }
0x4d: {  	_ =	shalt  }
0x4e: {  	_ =	shalt  }
0x4f: {  	_ =	shalt  }
0x50: {  	_ =	shalt  }
0x51: {  	_ =	shalt  }
0x52: {  	_ =	shalt  }
0x53: {  	_ =	shalt  }
0x54: {  	_ =	shalt  }
0x55: {  	_ =	shalt  }
0x56: {  	_ =	shalt  }
0x57: {  	_ =	shalt  }
0x58: {  	_ =	shalt  }
0x59: {  	_ =	shalt  }
0x5a: {  	_ =	shalt  }
0x5b: {  	_ =	shalt  }
0x5c: {  	_ =	shalt  }
0x5d: {  	_ =	shalt  }
0x5e: {  	_ =	shalt  }
0x5f: {  	_ =	shalt  }
0x60: {  	_ =	shalt  }
0x61: {  	_ =	shalt  }
0x62: {  	_ =	shalt  }
0x63: {  	_ =	shalt  }
0x64: {  	_ =	shalt  }
0x65: {  	_ =	shalt  }
0x66: {  	_ =	shalt  }
0x67: {  	_ =	shalt  }
0x68: {  	_ =	shalt  }
0x69: {  	_ =	shalt  }
0x6a: {  	_ =	shalt  }
0x6b: {  	_ =	shalt  }
0x6c: {  	_ =	shalt  }
0x6d: {  	_ =	shalt  }
0x6e: {  	_ =	shalt  }
0x6f: {  	_ =	shalt  }
0x70: {  	_ =	shalt  }
0x71: {  	_ =	shalt  }
0x72: {  	_ =	shalt  }
0x73: {  	_ =	shalt  }
0x74: {  	_ =	shalt  }
0x75: {  	_ =	shalt  }
0x76: {  	_ =	shalt  }
0x77: {  	_ =	shalt  }
0x78: {  	_ =	shalt  }
0x79: {  	_ =	shalt  }
0x7a: {  	_ =	shalt  }
0x7b: {  	_ =	shalt  }
0x7c: {  	_ =	shalt  }
0x7d: {  	_ =	shalt  }
0x7e: {  	_ =	shalt  }
0x7f: {  	_ =	shalt  }
0x80: {  	_ =	shalt  }
0x81: {  	_ =	shalt  }
0x82: {  	_ =	shalt  }
0x83: {  	_ =	shalt  }
0x84: {  	_ =	shalt  }
0x85: {  	_ =	shalt  }
0x86: {  	_ =	shalt  }
0x87: {  	_ =	shalt  }
.Lfunc_end0:
.L_simem_size_0:
called_computation_lowered:
.L_overlay_start_0:
0x88: {  	s2 =	sld [smem:$0x3FD9]  }
0x89: {  	s3 =	sld [smem:$0x3FFE];
	_ =	sdelay $0x1  }
0x8a: {  	s1 =	srdreg.scid  }
0x8b: {  	s0 =	sand.u32 $0x1, s1  }
0x8c: {  	s18 =	sshll.u32 s0, $0xA;
	s2 =	sadd.s32 s3, s2  }
0x8d: {  	s2 =	sadd.s32 s2, s18  }
0x8e: {  	[smem:$0x3FC4] =	sst s2  }
0x8f: {  	_ = 	snop  }
0x90: {  	s2 =	sld [smem:$0x3FC9]  }
0x91: {  	s19 =	sld [smem:$0x3FC8]  }
0x92: {  	s4 =	sld [smem:$0x3FC7]  }
0x93: {  	s5 =	sld [smem:$0x3FC6]  }
0x94: {  	s6 =	sld [smem:$0x3FD0];
	(tm) =	ssettm $0x1  }
0x95: {  	s7 =	sld [smem:$0x3FFB];
	_ =	sdelay $0x3  }
0x96: {  	_ =	strace s7  }
0x97: {  	s7 =	sld [smem:$0x3FFC];
	_ =	sdelay $0x3  }
0x98: {  	_ =	strace s7  }
0x99: {  	s7 =	sld [smem:$0x3FFD];
	_ =	sdelay $0x3  }
0x9a: {  	_ =	strace s7  }
0x9b: {  	_ =	strace $0x8FFFFFFF  }
0x9c: {  	s20 =	sld [smem:$0x3FDB];
	_ =	sdelay $0x1  }
0x9d: {  	s8 =	simm.s32 $_scs_section_size  }
0x9e: {  	s9 =	simm.s32 $_size__tile_overlayer_lowered;
	s10 =	simm.s32 $_tile_overlayer_lowered  }
0x9f: {  	s23 =	simm.s32 $0x1BFF;
	s22 =	sshll.u32 s10, $0x1;
	s7 =	sadd.s32 s8, s20  }
0xa0: {  	s11 =	simm.s32 $0x0;
	s21 =	sshll.u32 s9, $0x1;
	s9 =	sadd.s32 s22, s7  }
0xa1: {  	[timem:s11], [sflag:s23] =	dma.local [hbm:s9], s21  }
0xa2: {  	_ =	swait.ge [sflag:s23], s21  }
0xa3: {  	s8 =	ssub.s32 $0x0, s21;
	[sflag:s23] =	ssyncset.done $0x0  }
0xa4: {  	[sflag:s23] =	ssyncadd.s32 s8;
	_ =	sdelay $0x1  }
0xa5: {  	s24 =	simm.s32 $0x1B8B  }
0xa6: {  	_ =	swait.ge [sflag:s24], $0x1  }
0xa7: {  	[sflag:s24] =	ssyncset.done $0x0  }
0xa8: {  	s25 =	simm.s32 $0x1B8E;
	[sflag:s24] =	ssyncadd.s32 $0xFFFFFFFF  }
0xa9: {  	s26 =	simm.s32 $execute0_lowered;
	[smem:$0x3FD2] =	sst s25  }
0xaa: {  	s8 =	sshll.u32 s26, $0x1;
	_ =	strace $0x80000046;
	[dreg:$0x1] =	wrdreg $0xFFFFFFFF  }
0xab: {  	s28 =	simm.s32 $_size_execute0_lowered;
	s7 =	sadd.s32 s7, s8;
	[dreg:$0x0] =	wrdreg $0x0  }
0xac: {  	s8 =	sshll.u32 s28, $0x1;
	[dreg:$0x2] =	wrdreg s7  }
0xad: {  	[dreg:$0x3] =	wrdreg s8  }
0xae: {  	[dreg:$0x4] =	wrdreg $0xC0  }
0xaf: {  	_ =	task [dreg:s11], $0x5FFFF  }
0xb0: {  	[dreg:$0x1] =	wrdreg $0xFFFFFFFF  }
0xb1: {  	[dreg:$0x0] =	wrdreg $0x60  }
0xb2: {  	[dreg:$0x2] =	wrdreg s2  }
0xb3: {  	[dreg:$0x3] =	wrdreg s19  }
0xb4: {  	[dreg:$0x4] =	wrdreg s4  }
0xb5: {  	[dreg:$0x5] =	wrdreg s5  }
0xb6: {  	[dreg:$0x6] =	wrdreg s6  }
0xb7: {  	[dreg:$0x7] =	wrdreg $0x9  }
0xb8: {  	_ =	task.clear_ibuf [dreg:s11], $0x8FFFF;
	_ =	strace $0x90000046  }
0xb9: {  	s29 =	simm.s32 $0x9;
	_ =	strace $0x80000048  }
0xba: {  	_ =	swait.ge [sflag:s29], $0x1  }
0xbb: {  	[sflag:s29] =	ssyncadd.s32 $0xFFFFFFFF  }
0xbc: {  	_ =	strace $0x90000048  }
0xbd: {  	_ =	sfence  }
0xbe: {  	s30 =	sld [smem:$0x0];
	_ =	sdelay $0x2  }
0xbf: {  	s31 =	sshll.u32 s1, $0xD;
	s1 =	sshrl.u32 s1, $0x2  }
0xc0: {  	s3 =	sand.u32 $0x4000, s31;
	s1 =	sadd.s32 s1, s30  }
0xc1: {  	s0 =	sor.u32 s3, s0;
	s1 =	sshll.u32 s1, $0x11  }
0xc2: {  	s0 =	sor.u32 s1, s0  }
0xc3: {  	s0 =	sadd.s32 $0x8F2B, s0  }
0xc4: {  	[sflag:s0] =	ssyncadd.remote.s32 $0x1  }
0xc5: {  	_ =	sfence.sel $0xFFFF  }
0xc6: {  	[dreg:$0x0] =	wrdreg $0xFFFFFFFF;
	(pc) =	sbr.abs _section_cstart, $3  }
0xc7: {  	[dreg:$0x1] =	wrdreg $0xFFFFFFFF  }
0xc8: {  	_ =	task.clear_ibuf [dreg:s11], $0x2FFFF;
	_ =	strace $0x9FFFFFFF  }
0xc9: {  	(tm) =	ssettm $0x7FFFFFFF  }
tec
execute0_lowered:
.L_overlay_start_1:
0x0: {  	(tag) =	ssettag $0x1  }
0x1: {  	s5 =	rddreg [dreg:$0x0]  }
0x2: {  	s6 =	rddreg [dreg:$0x1]  }
0x3: {  	v0 =	vlaneseq.u32;
	s0 =	rddreg [dreg:$0x2]  }
0x4: {  	v1 =	vimm.s32 $0xEFCDAB89;
	s1 =	rddreg [dreg:$0x3];
	v3 =	vimm.s32 $0xDCFE98BA;
	v6 =	vimm.s32 $0xBA98FEDC  }
0x5: {  	s7 =	rddreg [dreg:$0x4];
	v7 =	vimm.s32 $0x32107654;
	v8 =	vimm.s32 $0xFEDCBA98;
	v0 =	vmul.u32 $0x80, v0  }
0x6: {  	s2 =	rddreg [dreg:$0x5];
	s8 =	srdreg.scid;
	v2 =	vunpack.c.l.s4.s8 v1;
	v1 =	vimm.s32 $0x67452301;
	v3 =	vunpack.c.l.s4.s8 v3  }
0x7: {  	s4 =	simm.s32 $0x0;
	s3 =	stileid.u32;
	s29 =	simm.s32 $0x2400;
	v6 =	vunpack.c.l.s4.s8 v6;
	v7 =	vunpack.c.l.s4.s8 v7;
	v8 =	vunpack.c.l.s4.s8 v8  }
0x8: {  	s30 =	simm.s32 $0xA400;
	s31 =	simm.s32 $0x4400;
	s12 =	simm.s32 $0xC400;
	v4 =	vunpack.c.l.s4.s8 v1;
	v1 =	vor.u32 $0x800, v0;
	v5 =	vunpack.c.0.s8.s32 v2  }
0x9: {  	s13 =	simm.s32 $0x6400;
	s14 =	simm.s32 $0xE400;
	s15 =	simm.s32 $0x2;
	v3 =	vunpack.c.0.s8.s32 v3;
	v2 =	vimm.s32 $0x54761032;
	v6 =	vunpack.c.0.s8.s32 v6  }
0xa: {  	s16 =	simm.s32 $0x3;
	s17 =	simm.s32 $0x4;
	[smem:$0x7FF] =	sst s4;
	v7 =	vunpack.c.0.s8.s32 v7;
	v11 =	vor.u32 $0x3800, v0;
	v12 =	vor.u32 $0x4000, v0  }
0xb: {  	s18 =	simm.s32 $0x10400;
	_ =	strace $0x80000047;
	[dreg:$0x6] =	wrdreg s29;
	v13 =	vor.u32 $0x4800, v0;
	v14 =	vor.u32 $0x5000, v0;
	v15 =	vor.u32 $0x5800, v0  }
0xc: {  	s19 =	simm.s32 $0x10480;
	s20 =	simm.s32 $0x0;
	[dreg:$0x7] =	wrdreg s30;
	v16 =	vor.u32 $0x6000, v0;
	v17 =	vor.u32 $0x6800, v0;
	v2 =	vunpack.c.l.s4.s8 v2  }
0xd: {  	s8 =	sand.u32 $0x1, s8;
	s10 =	sshll.u32 s3, $0x7;
	[dreg:$0x8] =	wrdreg s31;
	v18 =	vor.u32 $0x7000, v0;
	v19 =	vor.u32 $0x7800, v0;
	v4 =	vunpack.c.0.s8.s32 v4  }
0xe: {  	s9 =	ssub.s32 $0x2, s8;
	s8 =	sshll.u32 s8, $0x6;
	[dreg:$0x9] =	wrdreg s12;
	v6 =	vcombine.low v7, v6;
	v9 =	vunpack.c.0.s8.s32 v2;
	v2 =	vimm.s32 $0x76543210  }
0xf: {  	s12 =	simm.s32 $0x400;
	[dreg:$0xa] =	wrdreg s13;
	s13 =	simm.s32 $0x8400;
	v4 =	vcombine.low v4, v5;
	v5 =	vunpack.c.0.s8.s32 v8;
	v10 =	vunpack.c.l.s4.s8 v2  }
0x10: {  	[dreg:$0xb] =	wrdreg s14;
	s14 =	simm.s32 $0x1;
	s11 =	sshrl.u32 s9, $0x1;
	v2 =	vor.u32 $0x1000, v0;
	v6 =	vand.u32 $0xF, v6;
	v8 =	vcombine.low v9, v3  }
0x11: {  	s8 =	sor.u32 s8, s10;
	s10 =	simm.s32 $0x200;
	s9 =	ssub.s32 s9, s11;
	v3 =	vor.u32 $0x1800, v0;
	v4 =	vand.u32 $0xF, v4;
	v7 =	vunpack.c.0.s8.s32 v10  }
0x12: {  	s5 =	sadd.s32 s5, s8;
	s6 =	sadd.s32 s6, s8;
	s7 =	sadd.s32 s7, s8;
	v9 =	vand.u32 $0xF, v5;
	v10 =	vor.u32 $0x3000, v0;
	v5 =	vand.u32 $0xF, v8  }
0x13: {  	s11 =	simm.s32 $0x7A1400;
	s8 =	smax.u32 s9, $0x1;
	s9 =	simm.s32 $0x5;
	v8 =	vor.u32 $0x2000, v0;
	v7 =	vcombine.low v9, v7;
	v9 =	vor.u32 $0x2800, v0  }
.LBB2_1:
0x14: {  	[tilespmem:s4], [sflag:$0x5] =	stream.linear.gather [hbm4b:s5+s4], $0x200, $0x38;
	[tilespmem:$0x10680] =	vst v63  }
0x15: {  	_ =	swait.ge [sflag:s9], $0x200  }
0x16: {  	[sflag:s9] =	ssyncset.done $0x0  }
0x17: {  	[sflag:s9] =	ssyncadd.s32 $0xFFFFFE00  }
0x18: {  	[tilespmem:s10], [sflag:$0x5] =	stream.linear.gather [hbm4b:s6+s4], $0x200, $0x38;
	[tilespmem:$0x10680] =	vst v63  }
0x19: {  	_ =	swait.ge [sflag:s9], $0x200  }
0x1a: {  	[sflag:s9] =	ssyncset.done $0x0  }
0x1b: {  	s21 =	simm.s32 $0x0;
	[sflag:s9] =	ssyncadd.s32 $0xFFFFFE00  }
.LBB2_2:
0x1c: {  	v20 =	vmov s21  }
0x1d: {  	v20 =	vand.u32 $0xFFFFFFFC, v20  }
0x1e: {  	v23 =	vbroadcast v20, $0x0;
	_ =	sdelay $0x5  }
0x1f: {  	v20 =	vld.idx.msk [tilespmem:v23+s4+$0x0], $0xffff;
	_ =	sdelay $0x2  }
0x20: {  	v21 =	vld.idx.msk [tilespmem:v23+s10+$0x0], $0xffff;
	_ =	sdelay $0x1  }
0x21: {  	(xrf0) =	vadd.scan.msk.s32 $0xffff, v20;
	_ =	sdelay $0x2  }
0x22: {  	(xrf0) =	vadd.scan.msk.s32 $0xffff, v21;
	_ =	sdelay $0x2  }
0x23: {  	v20, _, _ =	vpop (xrf0)  }
0x24: {  	(v2sf) =	vpush v20, $0xF;
	_ =	sdelay $0x1  }
0x25: {  	v20, _, _ =	vpop (xrf0)  }
0x26: {  	(v2sf) =	vpush v20, $0xF;
	_ =	sdelay $0xb  }
0x27: {  	s23 =	sadd.s32 $0x1, s21;
	s22 =	spop (v2sf)  }
0x28: {  	v20 =	vmov s23;
	s22 =	sshra.s32 s22, $0x4  }
0x29: {  	v20 =	vand.u32 $0xFFFFFFFD, v20;
	s22 =	sand.u32 $0x1FFFFF80, s22  }
0x2a: {  	v22 =	vbroadcast v20, $0x0;
	s24 =	spop (v2sf);
	s22 =	sadd.s32 s0, s22  }
0x2b: {  	[tilespmem:s12], [sflag:$0x1] =	stream.strided.gather [hbm4b:s22+s12], $0x2000, s11, s12, $0x38;
	[tilespmem:$0x10680] =	vst v63  }
0x2c: {  	s22 =	sshra.s32 s24, $0x4  }
0x2d: {  	s22 =	sand.u32 $0x1FFFFF80, s22  }
0x2e: {  	s22 =	sadd.s32 s1, s22  }
0x2f: {  	[tilespmem:s13], [sflag:$0x1] =	stream.strided.gather [hbm4b:s22+s12], $0x2000, s11, s12, $0x38;
	[tilespmem:$0x10680] =	vst v63  }
0x30: {  	v20 =	vld.idx.msk [tilespmem:v22+s4+$0x0], $0xffff;
	_ =	sdelay $0x2  }
0x31: {  	v48 =	vld.idx.msk [tilespmem:v22+s10+$0x0], $0xffff;
	_ =	sdelay $0x1  }
0x32: {  	(xrf0) =	vadd.scan.msk.s32 $0xffff, v20;
	_ =	sdelay $0x2  }
0x33: {  	(xrf0) =	vadd.scan.msk.s32 $0xffff, v48;
	_ =	sdelay $0x2  }
0x34: {  	v20, _, _ =	vpop (xrf0)  }
0x35: {  	(v2sf) =	vpush v20, $0xF;
	_ =	sdelay $0x1  }
0x36: {  	v20, _, _ =	vpop (xrf0)  }
0x37: {  	(v2sf) =	vpush v20, $0xF;
	_ =	sdelay $0xb  }
0x38: {  	s24 =	sadd.s32 $0x2, s21;
	s25 =	spop (v2sf)  }
0x39: {  	v20 =	vmov s24;
	s22 =	sshra.s32 s25, $0x4  }
0x3a: {  	v20 =	vand.u32 $0xFFFFFFFE, v20;
	s22 =	sand.u32 $0x1FFFFF80, s22  }
0x3b: {  	s26 =	rddreg [dreg:$0x6];
	v21 =	vbroadcast v20, $0x0;
	s28 =	spop (v2sf);
	s22 =	sadd.s32 s0, s22  }
0x3c: {  	[tilespmem:s26], [sflag:$0x2] =	stream.strided.gather [hbm4b:s22+s12], $0x2000, s11, s12, $0x38;
	[tilespmem:$0x10680] =	vst v63  }
0x3d: {  	s22 =	sshra.s32 s28, $0x4  }
0x3e: {  	s22 =	sand.u32 $0x1FFFFF80, s22  }
0x3f: {  	s29 =	rddreg [dreg:$0x7];
	s22 =	sadd.s32 s1, s22  }
0x40: {  	[tilespmem:s29], [sflag:$0x2] =	stream.strided.gather [hbm4b:s22+s12], $0x2000, s11, s12, $0x38;
	[tilespmem:$0x10680] =	vst v63  }
0x41: {  	v20 =	vld.idx.msk [tilespmem:v21+s4+$0x0], $0xffff;
	_ =	sdelay $0x4  }
0x42: {  	(xrf0) =	vadd.scan.msk.s32 $0xffff, v20  }
0x43: {  	v20 =	vld.idx.msk [tilespmem:v21+s10+$0x0], $0xffff;
	_ =	sdelay $0x4  }
0x44: {  	v24, _, _ =	vpop (xrf0);
	(xrf0) =	vadd.scan.msk.s32 $0xffff, v20;
	_ =	sdelay $0x1  }
0x45: {  	(v2sf) =	vpush v24, $0xF;
	_ =	sdelay $0x3  }
0x46: {  	v20, _, _ =	vpop (xrf0)  }
0x47: {  	(v2sf) =	vpush v20, $0xF;
	_ =	sdelay $0x9  }
0x48: {  	s30 =	spop (v2sf)  }
0x49: {  	s22 =	sshra.s32 s30, $0x4  }
0x4a: {  	s22 =	sand.u32 $0x1FFFFF80, s22  }
0x4b: {  	s31 =	rddreg [dreg:$0x8];
	s23 =	sadd.s32 $0x3, s21;
	s22 =	sadd.s32 s0, s22  }
0x4c: {  	[tilespmem:s31], [sflag:$0x3] =	stream.strided.gather [hbm4b:s22+s12], $0x2000, s11, s12, $0x38;
	[tilespmem:$0x10680] =	vst v63  }
0x4d: {  	v20 =	vmov s23;
	s24 =	spop (v2sf)  }
0x4e: {  	s25 =	sshra.s32 s24, $0x4  }
0x4f: {  	s22 =	sand.u32 $0x1FFFFF80, s25  }
0x50: {  	s26 =	rddreg [dreg:$0x9];
	s22 =	sadd.s32 s1, s22  }
0x51: {  	[tilespmem:s26], [sflag:$0x3] =	stream.strided.gather [hbm4b:s22+s12], $0x2000, s11, s12, $0x38;
	[tilespmem:$0x10680] =	vst v63  }
0x52: {  	v49 =	vld.idx.msk [tilespmem:v20+s4+$0x0], $0xffff;
	_ =	sdelay $0x2  }
0x53: {  	v25 =	vld.idx.msk [tilespmem:v20+s10+$0x0], $0xffff;
	_ =	sdelay $0x1  }
0x54: {  	(xrf0) =	vadd.scan.msk.s32 $0xffff, v49;
	_ =	sdelay $0x2  }
0x55: {  	(xrf0) =	vadd.scan.msk.s32 $0xffff, v25;
	_ =	sdelay $0x2  }
0x56: {  	v24, _, _ =	vpop (xrf0)  }
0x57: {  	(v2sf) =	vpush v24, $0xF;
	_ =	sdelay $0x1  }
0x58: {  	v50, _, _ =	vpop (xrf0)  }
0x59: {  	(v2sf) =	vpush v50, $0xF;
	_ =	sdelay $0xb  }
0x5a: {  	s28 =	spop (v2sf)  }
0x5b: {  	s22 =	sshra.s32 s28, $0x4  }
0x5c: {  	s22 =	sand.u32 $0x1FFFFF80, s22  }
0x5d: {  	s29 =	rddreg [dreg:$0xa];
	s30 =	spop (v2sf);
	s22 =	sadd.s32 s0, s22  }
0x5e: {  	[tilespmem:s29], [sflag:$0x4] =	stream.strided.gather [hbm4b:s22+s12], $0x2000, s11, s12, $0x38;
	[tilespmem:$0x10680] =	vst v63  }
0x5f: {  	s22 =	sshra.s32 s30, $0x4  }
0x60: {  	s22 =	sand.u32 $0x1FFFFF80, s22  }
0x61: {  	s31 =	rddreg [dreg:$0xb];
	s22 =	sadd.s32 s1, s22  }
0x62: {  	[tilespmem:s31], [sflag:$0x4] =	stream.strided.gather [hbm4b:s22+s12], $0x2000, s11, s12, $0x38;
	[tilespmem:$0x10680] =	vst v63  }
0x63: {  	_ =	swait.ge [sflag:s14], $0x2000  }
0x64: {  	[sflag:s14] =	ssyncset.done $0x0  }
0x65: {  	[sflag:s14] =	ssyncadd.s32 $0xFFFFE000  }
0x66: {  	_ =	swait.ge [sflag:s14], $0x2000  }
0x67: {  	[sflag:s14] =	ssyncset.done $0x0  }
0x68: {  	[sflag:s14] =	ssyncadd.s32 $0xFFFFE000  }
0x69: {  	_ =	swait.ge [sflag:s15], $0x2000  }
0x6a: {  	[sflag:s15] =	ssyncset.done $0x0  }
0x6b: {  	[sflag:s15] =	ssyncadd.s32 $0xFFFFE000  }
0x6c: {  	_ =	swait.ge [sflag:s15], $0x2000  }
0x6d: {  	[sflag:s15] =	ssyncset.done $0x0  }
0x6e: {  	[sflag:s15] =	ssyncadd.s32 $0xFFFFE000  }
0x6f: {  	_ =	swait.ge [sflag:s16], $0x2000  }
0x70: {  	[sflag:s16] =	ssyncset.done $0x0  }
0x71: {  	[sflag:s16] =	ssyncadd.s32 $0xFFFFE000  }
0x72: {  	_ =	swait.ge [sflag:s16], $0x2000  }
0x73: {  	[sflag:s16] =	ssyncset.done $0x0  }
0x74: {  	[sflag:s16] =	ssyncadd.s32 $0xFFFFE000  }
0x75: {  	_ =	swait.ge [sflag:s17], $0x2000  }
0x76: {  	[sflag:s17] =	ssyncset.done $0x0  }
0x77: {  	[sflag:s17] =	ssyncadd.s32 $0xFFFFE000  }
0x78: {  	_ =	swait.ge [sflag:s17], $0x2000  }
0x79: {  	[sflag:s17] =	ssyncset.done $0x0  }
0x7a: {  	[sflag:s17] =	ssyncadd.s32 $0xFFFFE000  }
0x7b: {  	v51 =	vld.idx.msk [tilespmem:v23+s4+$0x0], $0xffff  }
0x7c: {  	v52 =	vld.idx.msk [tilespmem:v23+s10+$0x0], $0xffff;
	_ =	sdelay $0x3  }
0x7d: {  	v24 =	vand.u32 $0x7F, v51  }
0x7e: {  	v25 =	vand.u32 $0x7F, v52;
	v26 =	vor.u32 v0, v24  }
0x7f: {  	v27 =	vor.u32 v0, v25  }
0x80: {  	v28 =	vor.u32 v1, v24  }
0x81: {  	v29 =	vor.u32 v1, v25  }
0x82: {  	v30 =	vor.u32 v2, v24  }
0x83: {  	v31 =	vor.u32 v2, v25;
	v26 =	vld.idx.msk [tilespmem:v26+s12+$0x0], $0xffff  }
0x84: {  	v24 =	vor.u32 v3, v24;
	v27 =	vld.idx.msk [tilespmem:v27+s13+$0x0], $0xffff  }
0x85: {  	v25 =	vor.u32 v3, v25;
	v28 =	vld.idx.msk [tilespmem:v28+s12+$0x0], $0xffff  }
0x86: {  	v29 =	vld.idx.msk [tilespmem:v29+s13+$0x0], $0xffff  }
0x87: {  	v30 =	vld.idx.msk [tilespmem:v30+s12+$0x0], $0xffff  }
0x88: {  	v31 =	vld.idx.msk [tilespmem:v31+s13+$0x0], $0xffff  }
0x89: {  	v24 =	vld.idx.msk [tilespmem:v24+s12+$0x0], $0xffff;
	v26 =	vmul.f32 v27, v26  }
0x8a: {  	v25 =	vld.idx.msk [tilespmem:v25+s13+$0x0], $0xffff  }
0x8b: {  	v53 =	vmul.f32 v29, v28;
	v26 =	vadd.f32 $0.0e+00, v26;
	_ =	sdelay $0x1  }
0x8c: {  	v54 =	vmul.f32 v31, v30;
	v26 =	vadd.f32 v53, v26;
	_ =	sdelay $0x1  }
0x8d: {  	v24 =	vmul.f32 v25, v24;
	v26 =	vadd.f32 v54, v26;
	_ =	sdelay $0x1  }
0x8e: {  	v24 =	vadd.f32 v24, v26;
	_ =	sdelay $0x1  }
0x8f: {  	[tilespmem:$0x10400] =	vst v24  }
0x90: {  	v55 =	vld.idx.msk [tilespmem:v4+s18+$0x0], $0xffff;
	_ =	sdelay $0x4  }
0x91: {  	v24 =	vadd.f32 v55, v24;
	_ =	sdelay $0x1  }
0x92: {  	[tilespmem:$0x10400] =	vst v24  }
0x93: {  	v56 =	vld.idx.msk [tilespmem:v5+s18+$0x0], $0xffff;
	_ =	sdelay $0x4  }
0x94: {  	v24 =	vadd.f32 v56, v24;
	_ =	sdelay $0x1  }
0x95: {  	[tilespmem:$0x10400] =	vst v24  }
0x96: {  	v57 =	vld.idx.msk [tilespmem:v6+s18+$0x0], $0xffff;
	_ =	sdelay $0x4  }
0x97: {  	v24 =	vadd.f32 v57, v24;
	_ =	sdelay $0x1  }
0x98: {  	[tilespmem:$0x10400] =	vst v24  }
0x99: {  	v58 =	vld.idx.msk [tilespmem:v7+s18+$0x0], $0xffff;
	_ =	sdelay $0x4  }
0x9a: {  	v24 =	vadd.f32 v58, v24;
	_ =	sdelay $0x1  }
0x9b: {  	[tilespmem:v23+s19+$0x0] =	vst.idx.msk $0x1, v24  }
0x9c: {  	v23 =	vld.idx.msk [tilespmem:v22+s4+$0x0], $0xffff  }
0x9d: {  	v24 =	vld.idx.msk [tilespmem:v22+s10+$0x0], $0xffff;
	_ =	sdelay $0x3  }
0x9e: {  	v23 =	vand.u32 $0x7F, v23  }
0x9f: {  	v24 =	vand.u32 $0x7F, v24;
	v59 =	vor.u32 v8, v23  }
0xa0: {  	v60 =	vor.u32 v8, v24  }
0xa1: {  	v61 =	vor.u32 v9, v23  }
0xa2: {  	v62 =	vor.u32 v9, v24  }
0xa3: {  	v63 =	vor.u32 v10, v23  }
0xa4: {  	v33 =	vor.u32 v10, v24;
	v25 =	vld.idx.msk [tilespmem:v59+s12+$0x0], $0xffff  }
0xa5: {  	v23 =	vor.u32 v11, v23;
	v26 =	vld.idx.msk [tilespmem:v60+s13+$0x0], $0xffff  }
0xa6: {  	v24 =	vor.u32 v11, v24;
	v27 =	vld.idx.msk [tilespmem:v61+s12+$0x0], $0xffff  }
0xa7: {  	v28 =	vld.idx.msk [tilespmem:v62+s13+$0x0], $0xffff  }
0xa8: {  	v29 =	vld.idx.msk [tilespmem:v63+s12+$0x0], $0xffff  }
0xa9: {  	v30 =	vld.idx.msk [tilespmem:v33+s13+$0x0], $0xffff  }
0xaa: {  	v23 =	vld.idx.msk [tilespmem:v23+s12+$0x0], $0xffff;
	v25 =	vmul.f32 v26, v25  }
0xab: {  	v24 =	vld.idx.msk [tilespmem:v24+s13+$0x0], $0xffff  }
0xac: {  	v34 =	vmul.f32 v28, v27;
	v25 =	vadd.f32 $0.0e+00, v25;
	_ =	sdelay $0x1  }
0xad: {  	v35 =	vmul.f32 v30, v29;
	v25 =	vadd.f32 v34, v25;
	_ =	sdelay $0x1  }
0xae: {  	v23 =	vmul.f32 v24, v23;
	v25 =	vadd.f32 v35, v25;
	_ =	sdelay $0x1  }
0xaf: {  	v23 =	vadd.f32 v23, v25;
	_ =	sdelay $0x1  }
0xb0: {  	[tilespmem:$0x10400] =	vst v23  }
0xb1: {  	v36 =	vld.idx.msk [tilespmem:v4+s18+$0x0], $0xffff;
	_ =	sdelay $0x4  }
0xb2: {  	v23 =	vadd.f32 v36, v23;
	_ =	sdelay $0x1  }
0xb3: {  	[tilespmem:$0x10400] =	vst v23  }
0xb4: {  	v37 =	vld.idx.msk [tilespmem:v5+s18+$0x0], $0xffff;
	_ =	sdelay $0x4  }
0xb5: {  	v23 =	vadd.f32 v37, v23;
	_ =	sdelay $0x1  }
0xb6: {  	[tilespmem:$0x10400] =	vst v23  }
0xb7: {  	v38 =	vld.idx.msk [tilespmem:v6+s18+$0x0], $0xffff;
	_ =	sdelay $0x4  }
0xb8: {  	v23 =	vadd.f32 v38, v23;
	_ =	sdelay $0x1  }
0xb9: {  	[tilespmem:$0x10400] =	vst v23  }
0xba: {  	v39 =	vld.idx.msk [tilespmem:v7+s18+$0x0], $0xffff;
	_ =	sdelay $0x4  }
0xbb: {  	v23 =	vadd.f32 v39, v23;
	_ =	sdelay $0x1  }
0xbc: {  	[tilespmem:v22+s19+$0x0] =	vst.idx.msk $0x1, v23  }
0xbd: {  	v22 =	vld.idx.msk [tilespmem:v21+s4+$0x0], $0xffff  }
0xbe: {  	v23 =	vld.idx.msk [tilespmem:v21+s10+$0x0], $0xffff;
	_ =	sdelay $0x3  }
0xbf: {  	v22 =	vand.u32 $0x7F, v22  }
0xc0: {  	v23 =	vand.u32 $0x7F, v23;
	v40 =	vor.u32 v12, v22  }
0xc1: {  	v41 =	vor.u32 v12, v23  }
0xc2: {  	v42 =	vor.u32 v13, v22  }
0xc3: {  	v43 =	vor.u32 v13, v23  }
0xc4: {  	v44 =	vor.u32 v14, v22  }
0xc5: {  	v45 =	vor.u32 v14, v23;
	v24 =	vld.idx.msk [tilespmem:v40+s12+$0x0], $0xffff  }
0xc6: {  	v22 =	vor.u32 v15, v22;
	v25 =	vld.idx.msk [tilespmem:v41+s13+$0x0], $0xffff  }
0xc7: {  	v23 =	vor.u32 v15, v23;
	v26 =	vld.idx.msk [tilespmem:v42+s12+$0x0], $0xffff  }
0xc8: {  	v27 =	vld.idx.msk [tilespmem:v43+s13+$0x0], $0xffff  }
0xc9: {  	v28 =	vld.idx.msk [tilespmem:v44+s12+$0x0], $0xffff  }
0xca: {  	v29 =	vld.idx.msk [tilespmem:v45+s13+$0x0], $0xffff  }
0xcb: {  	v22 =	vld.idx.msk [tilespmem:v22+s12+$0x0], $0xffff;
	v24 =	vmul.f32 v25, v24  }
0xcc: {  	v23 =	vld.idx.msk [tilespmem:v23+s13+$0x0], $0xffff  }
0xcd: {  	v46 =	vmul.f32 v27, v26;
	v24 =	vadd.f32 $0.0e+00, v24;
	_ =	sdelay $0x1  }
0xce: {  	v47 =	vmul.f32 v29, v28;
	v24 =	vadd.f32 v46, v24;
	_ =	sdelay $0x1  }
0xcf: {  	v22 =	vmul.f32 v23, v22;
	v24 =	vadd.f32 v47, v24;
	_ =	sdelay $0x1  }
0xd0: {  	v22 =	vadd.f32 v22, v24;
	_ =	sdelay $0x1  }
0xd1: {  	[tilespmem:$0x10400] =	vst v22  }
0xd2: {  	v48 =	vld.idx.msk [tilespmem:v4+s18+$0x0], $0xffff;
	_ =	sdelay $0x4  }
0xd3: {  	v22 =	vadd.f32 v48, v22;
	_ =	sdelay $0x1  }
0xd4: {  	[tilespmem:$0x10400] =	vst v22  }
0xd5: {  	v49 =	vld.idx.msk [tilespmem:v5+s18+$0x0], $0xffff;
	_ =	sdelay $0x4  }
0xd6: {  	v22 =	vadd.f32 v49, v22;
	_ =	sdelay $0x1  }
0xd7: {  	[tilespmem:$0x10400] =	vst v22  }
0xd8: {  	v50 =	vld.idx.msk [tilespmem:v6+s18+$0x0], $0xffff;
	_ =	sdelay $0x4  }
0xd9: {  	v22 =	vadd.f32 v50, v22;
	_ =	sdelay $0x1  }
0xda: {  	[tilespmem:$0x10400] =	vst v22  }
0xdb: {  	v51 =	vld.idx.msk [tilespmem:v7+s18+$0x0], $0xffff;
	_ =	sdelay $0x4  }
0xdc: {  	v22 =	vadd.f32 v51, v22;
	_ =	sdelay $0x1  }
0xdd: {  	[tilespmem:v21+s19+$0x0] =	vst.idx.msk $0x1, v22  }
0xde: {  	v21 =	vld.idx.msk [tilespmem:v20+s4+$0x0], $0xffff  }
0xdf: {  	v22 =	vld.idx.msk [tilespmem:v20+s10+$0x0], $0xffff;
	_ =	sdelay $0x3  }
0xe0: {  	v21 =	vand.u32 $0x7F, v21  }
0xe1: {  	v22 =	vand.u32 $0x7F, v22;
	v52 =	vor.u32 v16, v21  }
0xe2: {  	v53 =	vor.u32 v16, v22  }
0xe3: {  	v54 =	vor.u32 v17, v21  }
0xe4: {  	v55 =	vor.u32 v17, v22  }
0xe5: {  	v56 =	vor.u32 v18, v21  }
0xe6: {  	v57 =	vor.u32 v18, v22;
	v23 =	vld.idx.msk [tilespmem:v52+s12+$0x0], $0xffff  }
0xe7: {  	v21 =	vor.u32 v19, v21;
	v24 =	vld.idx.msk [tilespmem:v53+s13+$0x0], $0xffff  }
0xe8: {  	v22 =	vor.u32 v19, v22;
	v25 =	vld.idx.msk [tilespmem:v54+s12+$0x0], $0xffff  }
0xe9: {  	v26 =	vld.idx.msk [tilespmem:v55+s13+$0x0], $0xffff  }
0xea: {  	v27 =	vld.idx.msk [tilespmem:v56+s12+$0x0], $0xffff  }
0xeb: {  	v28 =	vld.idx.msk [tilespmem:v57+s13+$0x0], $0xffff  }
0xec: {  	v21 =	vld.idx.msk [tilespmem:v21+s12+$0x0], $0xffff;
	v23 =	vmul.f32 v24, v23  }
0xed: {  	v22 =	vld.idx.msk [tilespmem:v22+s13+$0x0], $0xffff  }
0xee: {  	v58 =	vmul.f32 v26, v25;
	v23 =	vadd.f32 $0.0e+00, v23;
	_ =	sdelay $0x1  }
0xef: {  	v59 =	vmul.f32 v28, v27;
	v23 =	vadd.f32 v58, v23;
	_ =	sdelay $0x1  }
0xf0: {  	v21 =	vmul.f32 v22, v21;
	v23 =	vadd.f32 v59, v23;
	_ =	sdelay $0x1  }
0xf1: {  	v21 =	vadd.f32 v21, v23;
	_ =	sdelay $0x1  }
0xf2: {  	[tilespmem:$0x10400] =	vst v21  }
0xf3: {  	v60 =	vld.idx.msk [tilespmem:v4+s18+$0x0], $0xffff;
	_ =	sdelay $0x4  }
0xf4: {  	v21 =	vadd.f32 v60, v21;
	_ =	sdelay $0x1  }
0xf5: {  	[tilespmem:$0x10400] =	vst v21  }
0xf6: {  	v61 =	vld.idx.msk [tilespmem:v5+s18+$0x0], $0xffff;
	_ =	sdelay $0x4  }
0xf7: {  	v21 =	vadd.f32 v61, v21;
	_ =	sdelay $0x1  }
0xf8: {  	[tilespmem:$0x10400] =	vst v21  }
0xf9: {  	v62 =	vld.idx.msk [tilespmem:v6+s18+$0x0], $0xffff;
	_ =	sdelay $0x4  }
0xfa: {  	v21 =	vadd.f32 v62, v21;
	_ =	sdelay $0x1  }
0xfb: {  	[tilespmem:$0x10400] =	vst v21  }
0xfc: {  	v63 =	vld.idx.msk [tilespmem:v7+s18+$0x0], $0xffff;
	_ =	sdelay $0x1  }
0xfd: {  	p0 =	sne.s32 s21, $0x1FC  }
.Ltmp0:
0xfe: {  	_ = 	snop;
	(pc) =	sbr.rel @p0 .LBB2_2-.Ltmp0, $3  }
0xff: {  	_ = 	snop  }
0x100: {  	v21 =	vadd.f32 v63, v21;
	_ =	sdelay $0x1  }
0x101: {  	s21 =	sadd.s32 $0x4, s21;
	[tilespmem:v20+s19+$0x0] =	vst.idx.msk $0x1, v21  }
0x102: {  	s20 =	sadd.s32 $0x1, s20  }
0x103: {  	p0 =	sne.s32 s20, s8  }
.Ltmp1:
0x104: {  	_ = 	snop;
	(pc) =	sbr.rel @p0 .LBB2_1-.Ltmp1, $4  }
0x105: {  	[hbm4b:s7+s4] =	stream.linear.scatter [tilespmem:s19], [sflag:$0x5], $0x200, $0x38;
	[tilespmem:$0x10680] =	vst v63  }
0x106: {  	_ =	swait.ge [sflag:s9], $0x200  }
0x107: {  	[sflag:s9] =	ssyncset.done $0x0  }
0x108: {  	[sflag:s9] =	ssyncadd.s32 $0xFFFFFE00  }
0x109: {  	_ =	sfence.sel $0x180000  }
0x10a: {  	[bflag:$0x0] =	sbarrier.arrive $0xFFFF  }
0x10b: {  	p0 =	sne.s32 s3, $0x0;
	_ =	strace $0x90000047  }
0x10c: {  	s0 =	sadd.s32 @!p0 $0x100000, s2;
	[bflag:$0x2] =	sbarrier.arrive $0xFFFF  }
0x10d: {  	[sflag:s0] =	ssyncadd.tile.s32 @!p0 $0x1;
	_ =	shalt  }
.Lfunc_end2:
_tile_overlayer_lowered:
.L_overlay_start_2:
0x10e: {  	(tag) =	ssettag $0x2  }
0x10f: {  	s0 =	rddreg [dreg:$0x0];
	s2 =	stileid.u32  }
0x110: {  	s1 =	rddreg [dreg:$0x1];
	p0 =	sne.s32 s2, $0x0  }
0x111: {  	s3 =	rddreg [dreg:$0x2];
	[bflag:$0x3] =	sbarrier.arrive $0xFFFF;
	s2 =	simm.s32 @!p0 $0x1C05  }
0x112: {  	[timem:s3], [sflag:s2] =	dma.local @!p0 [hbm:s0], s1  }
0x113: {  	s0 =	simm.s32 @!p0 $0x5  }
0x114: {  	_ =	swait.ge @!p0 [sflag:s0], s1  }
0x115: {  	s1 =	ssub.s32 @!p0 $0x0, s1;
	[sflag:s0] =	ssyncset.done @!p0 $0x0  }
0x116: {  	[sflag:s0] =	ssyncadd.s32 @!p0 s1  }
0x117: {  	[bflag:$0x3] =	sbarrier.arrive $0xFFFF  }
0x118: {  	_ =	shalt  }

</sc_bundles>
